<compile_context>
chip_gen: v7x
topology: tpu7x:2x2x1
jax: 0.10.2.dev20260603
libtpu: 0.0.44.dev20260713+nightly
codegen_flags: <defaults>
</compile_context>

<pallas_src>
import jax
import jax.numpy as jnp
from jax.experimental import pallas as pl
from jax.experimental.pallas import tpu as pltpu
from functools import partial

W_CLASS = 2.0
W_L1 = 5.0
W_GIOU = 2.0
OTA_K = 5
ALPHA = 0.25
GAMMA = 2.0
CENTER_RADIUS = 2.5
IMG = 1024.0

_INF = float("inf")
_IBIG = 1 << 30


def _extract5(vals, idxs):
    outv, outi = [], []
    W, Wi = vals, idxs
    for _ in range(OTA_K):
        m = jnp.min(W, axis=0, keepdims=True)
        sel = W == m
        mi = jnp.min(jnp.where(sel, Wi, _IBIG), axis=0, keepdims=True)
        outv.append(m)
        outi.append(mi)
        W = jnp.where(sel & (Wi == mi), _INF, W)
    outv.append(jnp.full((3, 128), _INF, jnp.float32))
    outi.append(jnp.full((3, 128), _IBIG, jnp.int32))
    return jnp.concatenate(outv, axis=0), jnp.concatenate(outi, axis=0)


def _tile_kernel(x1_ref, y1_ref, x2_ref, y2_ref, cls_ref, gt_ref,
                 cost_ref, iou5_ref, lc5v_ref, lc5i_ref,
                 niov_acc, nioi_acc, cv_acc, ci_acc, *, tn, g):
    t = pl.program_id(1)

    @pl.when(t == 0)
    def _init():
        niov_acc[...] = jnp.full((8, 128), _INF, jnp.float32)
        nioi_acc[...] = jnp.full((8, 128), _IBIG, jnp.int32)
        cv_acc[...] = jnp.full((8, 128), _INF, jnp.float32)
        ci_acc[...] = jnp.full((8, 128), _IBIG, jnp.int32)

    x1 = x1_ref[0]
    y1 = y1_ref[0]
    x2 = x2_ref[0]
    y2 = y2_ref[0]
    cls_c = cls_ref[0]
    gt = gt_ref[0]
    gx1 = gt[0:1, :]
    gy1 = gt[1:2, :]
    gx2 = gt[2:3, :]
    gy2 = gt[3:4, :]
    cxl = gt[4:5, :]
    cxh = gt[5:6, :]
    cyl = gt[6:7, :]
    cyh = gt[7:8, :]
    gn1 = gt[8:9, :]
    gn2 = gt[9:10, :]
    gn3 = gt[10:11, :]
    gn4 = gt[11:12, :]
    area_b = gt[12:13, :]

    px = (x1 + x2) * 0.5
    py = (y1 + y2) * 0.5
    strict = (px > gx1) & (px < gx2) & (py > gy1) & (py < gy2)
    circ = (px > cxl) & (px < cxh) & (py > cyl) & (py < cyh)
    loose = jnp.any(circ, axis=1, keepdims=True)

    inv = 1.0 / IMG
    d0 = jnp.abs(x1 * inv - gn1)
    d1 = jnp.abs(y1 * inv - gn2)
    d2 = jnp.abs(x2 * inv - gn3)
    d3 = jnp.abs(y2 * inv - gn4)
    cost_bbox = ((d0 + d1) + d2) + d3

    area_a = (x2 - x1) * (y2 - y1)
    iw = jnp.clip(jnp.minimum(x2, gx2) - jnp.maximum(x1, gx1), 0.0)
    ih = jnp.clip(jnp.minimum(y2, gy2) - jnp.maximum(y1, gy1), 0.0)
    inter = iw * ih
    union = area_a + area_b - inter
    iou = inter / (union + 1e-8)
    ew = jnp.clip(jnp.maximum(x2, gx2) - jnp.minimum(x1, gx1), 0.0)
    eh = jnp.clip(jnp.maximum(y2, gy2) - jnp.minimum(y1, gy1), 0.0)
    earea = ew * eh
    giou = iou - (earea - union) / (earea + 1e-8)

    cost = (W_L1 * cost_bbox + W_CLASS * cls_c + W_GIOU * (-giou)
            + jnp.where(strict, 0.0, 100.0))
    cost = cost + jnp.where(loose, 0.0, 10000.0)

    lane = jax.lax.broadcasted_iota(jnp.int32, (1, 128), 1)
    cost = jnp.where(lane < g, cost, _INF)
    cost_ref[0] = cost

    gidx = jax.lax.broadcasted_iota(jnp.int32, (tn, 128), 0) + t * tn

    wv = jnp.concatenate([cost, cv_acc[...]], axis=0)
    wi = jnp.concatenate([gidx, ci_acc[...]], axis=0)
    nv, ni = _extract5(wv, wi)
    cv_acc[...] = nv
    ci_acc[...] = ni

    wv = jnp.concatenate([-iou, niov_acc[...]], axis=0)
    wi = jnp.concatenate([gidx, nioi_acc[...]], axis=0)
    nv, ni = _extract5(wv, wi)
    niov_acc[...] = nv
    nioi_acc[...] = ni

    iou5_ref[0] = -niov_acc[...]
    lc5v_ref[0] = cv_acc[...]
    lc5i_ref[0] = ci_acc[...]


def _two_sum(a, b):
    s = a + b
    bb = s - a
    err = (a - (s - bb)) + (b - bb)
    return s, err


def _dynamic_ks(iou5):
    v = [iou5[:, i, :] for i in range(OTA_K)]
    for _ in range(OTA_K):
        for i in range(1, OTA_K):
            s, e = _two_sum(v[i - 1], v[i])
            v[i - 1], v[i] = e, s
    hi = v[-1]
    r = v[0]
    for i in range(1, OTA_K - 1):
        r = r + v[i]
    m = jnp.floor(hi)
    frac = hi - m
    k = (m + jnp.where((frac - 1.0) + r >= 0.0, 1.0, 0.0)
         - jnp.where((frac == 0.0) & (r < 0.0), 1.0, 0.0))
    return jnp.maximum(k.astype(jnp.int32), 1)


def _matching(cost, iou5, lv, li, B, N, G):
    L = 128
    E = OTA_K * L
    ks = _dynamic_ks(iou5)
    lane = jnp.arange(L, dtype=jnp.int32)
    krow = jnp.arange(OTA_K, dtype=jnp.int32)
    valid = ((krow[None, :, None] < ks[:, None, :])
             & (lane[None, None, :] < G)).reshape(B, E)
    q = li.reshape(B, E)
    c = lv.reshape(B, E)
    gl = jnp.tile(lane, OTA_K)

    better = (valid[:, None, :]
              & (q[:, :, None] == q[:, None, :])
              & ((c[:, None, :] < c[:, :, None])
                 | ((c[:, None, :] == c[:, :, None])
                    & (gl[None, None, :] < gl[None, :, None]))))
    winner = valid & ~jnp.any(better, axis=2)
    counts = winner.reshape(B, OTA_K, L).sum(axis=1).astype(jnp.int32)
    counts = jnp.where(lane[None, :] < G, counts, 1)

    brow = jnp.arange(B, dtype=jnp.int32)[:, None]
    a = jnp.full((B, N), -1, jnp.int32).at[brow, q].max(
        jnp.where(winner, gl[None, :], -1), mode="drop")

    def cond_fn(state):
        _, counts = state
        return jnp.any(counts == 0)

    def body_fn(state):
        a, counts = state
        matched = a >= 0
        costm = jnp.where(matched[:, :, None], _INF, cost)
        pos = jnp.argmin(costm, axis=1)
        posc = jnp.take_along_axis(costm, pos[:, None, :], axis=1)[:, 0, :]
        zero = counts == 0
        better2 = (zero[:, None, :]
                   & (pos[:, :, None] == pos[:, None, :])
                   & ((posc[:, None, :] < posc[:, :, None])
                      | ((posc[:, None, :] == posc[:, :, None])
                         & (lane[None, None, :] < lane[None, :, None]))))
        win = zero & ~jnp.any(better2, axis=2)
        a = a.at[brow, pos].max(jnp.where(win, lane[None, :], -1),
                                mode="drop")
        counts = counts + win.astype(jnp.int32)
        return a, counts

    a, counts = jax.lax.while_loop(cond_fn, body_fn, (a, counts))
    return a >= 0, a


def kernel(pred_logits, pred_xyxy, gt_cxcywh):
    B, N = pred_logits.shape[0], pred_logits.shape[1]
    G = gt_cxcywh.shape[1]
    assert G <= 128

    tn = None
    for d in range(min(2048, N), 7, -1):
        if N % d == 0 and d % 8 == 0:
            tn = d
            break
    assert tn is not None, "N must have a divisor that is a multiple of 8"
    nt = N // tn

    p = jax.nn.sigmoid(pred_logits)
    neg_cost = (1.0 - ALPHA) * p ** GAMMA * (-jnp.log(1.0 - p + 1e-8))
    pos_cost = ALPHA * (1.0 - p) ** GAMMA * (-jnp.log(p + 1e-8))
    cls_cost = pos_cost - neg_cost

    x1 = pred_xyxy[:, :, 0:1]
    y1 = pred_xyxy[:, :, 1:2]
    x2 = pred_xyxy[:, :, 2:3]
    y2 = pred_xyxy[:, :, 3:4]

    gcx, gcy = gt_cxcywh[:, :, 0], gt_cxcywh[:, :, 1]
    gw_, gh_ = gt_cxcywh[:, :, 2], gt_cxcywh[:, :, 3]
    gx1 = gcx - 0.5 * gw_
    gy1 = gcy - 0.5 * gh_
    gx2 = gcx + 0.5 * gw_
    gy2 = gcy + 0.5 * gh_
    gw = gx2 - gx1
    gh = gy2 - gy1
    rows = [
        gx1, gy1, gx2, gy2,
        gcx - CENTER_RADIUS * gw, gcx + CENTER_RADIUS * gw,
        gcy - CENTER_RADIUS * gh, gcy + CENTER_RADIUS * gh,
        gx1 / IMG, gy1 / IMG, gx2 / IMG, gy2 / IMG,
        (gx2 - gx1) * (gy2 - gy1),
    ]
    gtrows = jnp.stack(rows, axis=1)
    pad_cols = jnp.zeros((B, 13, 128 - G), jnp.float32)
    pad_cols = pad_cols.at[:, 4, :].set(_INF)
    pad_cols = pad_cols.at[:, 6, :].set(_INF)
    gtrows = jnp.concatenate([gtrows, pad_cols], axis=2)
    gtrows = jnp.concatenate(
        [gtrows, jnp.zeros((B, 3, 128), jnp.float32)], axis=1)

    row_spec = pl.BlockSpec((1, tn, 1), lambda b, t: (b, t, 0))
    acc_spec = pl.BlockSpec((1, 8, 128), lambda b, t: (b, 0, 0))
    cost, iou5, lv, li = pl.pallas_call(
        partial(_tile_kernel, tn=tn, g=G),
        grid=(B, nt),
        in_specs=[row_spec, row_spec, row_spec, row_spec, row_spec,
                  pl.BlockSpec((1, 16, 128), lambda b, t: (b, 0, 0))],
        out_specs=[pl.BlockSpec((1, tn, 128), lambda b, t: (b, t, 0)),
                   acc_spec, acc_spec, acc_spec],
        out_shape=[jax.ShapeDtypeStruct((B, N, 128), jnp.float32),
                   jax.ShapeDtypeStruct((B, 8, 128), jnp.float32),
                   jax.ShapeDtypeStruct((B, 8, 128), jnp.float32),
                   jax.ShapeDtypeStruct((B, 8, 128), jnp.int32)],
        scratch_shapes=[pltpu.VMEM((8, 128), jnp.float32),
                        pltpu.VMEM((8, 128), jnp.int32),
                        pltpu.VMEM((8, 128), jnp.float32),
                        pltpu.VMEM((8, 128), jnp.int32)],
    )(x1, y1, x2, y2, cls_cost, gtrows)

    sel, a = _matching(cost, iou5[:, :OTA_K, :], lv[:, :OTA_K, :],
                       li[:, :OTA_K, :], B, N, G)
    return sel, a

# --- scband reference (transcript-rebuilt; emitter-appended) ---
"""Pipeline reference for scband-dynamic-kmatcher-10316511445743 (READ-ONLY COPY).

The authoritative reference and input builder live on the scoring server;
editing this copy changes nothing except your own understanding.
"""

import jax, jax.numpy as jnp
import numpy as np

W_CLASS = 2.0
W_L1 = 5.0
W_GIOU = 2.0
OTA_K = 5
ALPHA = 0.25
GAMMA = 2.0
CENTER_RADIUS = 2.5
IMAGE_WHWH = np.array([1024.0, 1024.0, 1024.0, 1024.0], dtype=np.float32)


def box_cxcywh_to_xyxy(b):
    cx, cy, w, h = b[..., 0], b[..., 1], b[..., 2], b[..., 3]
    return jnp.stack([cx - 0.5 * w, cy - 0.5 * h, cx + 0.5 * w, cy + 0.5 * h], axis=-1)


def box_xyxy_to_cxcywh(b):
    x1, y1, x2, y2 = b[..., 0], b[..., 1], b[..., 2], b[..., 3]
    return jnp.stack([(x1 + x2) * 0.5, (y1 + y2) * 0.5, x2 - x1, y2 - y1], axis=-1)


def box_iou_pair(a, b):
    area_a = (a[:, 2] - a[:, 0]) * (a[:, 3] - a[:, 1])
    area_b = (b[:, 2] - b[:, 0]) * (b[:, 3] - b[:, 1])
    lt = jnp.maximum(a[:, None, :2], b[None, :, :2])
    rb = jnp.minimum(a[:, None, 2:], b[None, :, 2:])
    wh = jnp.clip(rb - lt, 0.0)
    inter = wh[..., 0] * wh[..., 1]
    union = area_a[:, None] + area_b[None, :] - inter
    iou = inter / (union + 1e-8)
    return iou, union


def generalized_box_iou(a, b):
    iou, union = box_iou_pair(a, b)
    lt = jnp.minimum(a[:, None, :2], b[None, :, :2])
    rb = jnp.maximum(a[:, None, 2:], b[None, :, 2:])
    wh = jnp.clip(rb - lt, 0.0)
    area = wh[..., 0] * wh[..., 1]
    return iou - (area - union) / (area + 1e-8)


def compute_cost_and_iou(pred_logits, pred_xyxy, gt_cxcywh):
    B, N = pred_logits.shape[0], pred_logits.shape[1]
    G = gt_cxcywh.shape[1]
    out_prob = jax.nn.sigmoid(pred_logits).reshape(-1, 1)
    out_xyxy = pred_xyxy.reshape(-1, 4)
    gt_flat = gt_cxcywh.reshape(-1, 4)
    gt_xyxy = box_cxcywh_to_xyxy(gt_flat)
    pred_cxcywh = box_xyxy_to_cxcywh(out_xyxy)
    px = pred_cxcywh[:, 0:1]
    py = pred_cxcywh[:, 1:2]
    strict = ((px > gt_xyxy[:, 0][None, :]) & (px < gt_xyxy[:, 2][None, :]) & (py > gt_xyxy[:, 1][None, :]) & (py < gt_xyxy[:, 3][None, :]))
    gw = gt_xyxy[:, 2] - gt_xyxy[:, 0]
    gh = gt_xyxy[:, 3] - gt_xyxy[:, 1]
    circ = ((px > (gt_flat[:, 0] - CENTER_RADIUS * gw)[None, :]) & (px < (gt_flat[:, 0] + CENTER_RADIUS * gw)[None, :]) & (py > (gt_flat[:, 1] - CENTER_RADIUS * gh)[None, :]) & (py < (gt_flat[:, 1] + CENTER_RADIUS * gh)[None, :]))
    circ4 = circ.reshape(B, N, B, G)
    idx = jnp.arange(B)
    loose = jnp.any(circ4[idx, :, idx, :], axis=-1).reshape(-1)
    neg_cost = (1.0 - ALPHA) * out_prob ** GAMMA * (-jnp.log(1.0 - out_prob + 1e-8))
    pos_cost = ALPHA * (1.0 - out_prob) ** GAMMA * (-jnp.log(out_prob + 1e-8))
    cost_class = pos_cost - neg_cost
    whwh = jnp.asarray(IMAGE_WHWH)
    out_norm = out_xyxy / whwh
    gt_norm = gt_xyxy / whwh
    cost_bbox = jnp.sum(jnp.abs(out_norm[:, None, :] - gt_norm[None, :, :]), axis=-1)
    cost_giou = -generalized_box_iou(out_xyxy, gt_xyxy)
    cost = W_L1 * cost_bbox + W_CLASS * cost_class + W_GIOU * cost_giou + jnp.where(strict, 0.0, 100.0)
    cost = cost + jnp.where(loose, 0.0, 10000.0)[:, None]
    iou, _ = box_iou_pair(out_xyxy, gt_xyxy)
    return cost, iou


def _two_sum(a, b):
    s = a + b
    bb = s - a
    err = (a - (s - bb)) + (b - bb)
    return s, err


def dynamic_k_matching(cost, iou):
    N, num_gt = cost.shape
    topk_ious = jax.lax.top_k(iou.T, OTA_K)[0]
    v = [topk_ious[:, i] for i in range(OTA_K)]
    for _ in range(OTA_K):
        for i in range(1, OTA_K):
            s, e = _two_sum(v[i - 1], v[i])
            v[i - 1], v[i] = e, s
    hi = v[-1]
    r = v[0]
    for i in range(1, OTA_K - 1):
        r = r + v[i]
    m = jnp.floor(hi)
    frac = hi - m
    k = m + jnp.where((frac - 1.0) + r >= 0.0, 1.0, 0.0) - jnp.where((frac == 0.0) & (r < 0.0), 1.0, 0.0)
    dynamic_ks = jnp.maximum(k.astype(jnp.int32), 1)
    _, low_idx = jax.lax.top_k(-cost.T, OTA_K)
    sel_mask = jnp.arange(OTA_K)[None, :] < dynamic_ks[:, None]
    matching = jnp.zeros((N, num_gt), dtype=bool)
    cols = jnp.arange(num_gt)[:, None]
    matching = matching.at[low_idx, cols].set(sel_mask)

    def dedup(matching, cost):
        pm = jnp.sum(matching, axis=1)
        multi = pm > 1
        tmp = jnp.where(matching, cost, jnp.inf)
        amin = jnp.argmin(tmp, axis=1)
        onehot = jnp.arange(num_gt)[None, :] == amin[:, None]
        return jnp.where(multi[:, None], onehot, matching)

    matching = dedup(matching, cost)

    def cond_fn(state):
        matching, cost = state
        return jnp.any(jnp.sum(matching, axis=0) == 0)

    def body_fn(state):
        matching, cost = state
        matched_q = jnp.sum(matching, axis=1) > 0
        cost = jnp.where(matched_q[:, None], jnp.inf, cost)
        unmatched = jnp.sum(matching, axis=0) == 0
        pos = jnp.argmin(cost, axis=0)
        add = unmatched[None, :] & (jnp.arange(N)[:, None] == pos[None, :])
        matching = matching | add
        matching = dedup(matching, cost)
        return matching, cost

    matching, cost = jax.lax.while_loop(cond_fn, body_fn, (matching, cost))
    sel = jnp.sum(matching, axis=1) > 0
    gt_idx = jnp.argmax(matching, axis=1)
    gt_per_query = jnp.where(sel, gt_idx, -1).astype(jnp.int32)
    return sel, gt_per_query


def setup_inputs(seed: int = 0) -> dict:
    key = jax.random.key(seed)
    B, N, G = 2, 20000, 100
    k1, k2, k3, k4, k5 = jax.random.split(key, 5)
    pred_logits = jax.random.normal(k1, (B, N, 1), dtype=jnp.float32)
    pc = jax.random.uniform(k2, (B, N, 2), minval=0.0, maxval=1024.0, dtype=jnp.float32)
    pwh = jax.random.uniform(k3, (B, N, 2), minval=8.0, maxval=256.0, dtype=jnp.float32)
    pred_xyxy = jnp.concatenate([pc - 0.5 * pwh, pc + 0.5 * pwh], axis=-1)
    gc = jax.random.uniform(k4, (B, G, 2), minval=32.0, maxval=992.0, dtype=jnp.float32)
    gwh = jax.random.uniform(k5, (B, G, 2), minval=16.0, maxval=256.0, dtype=jnp.float32)
    gt_cxcywh = jnp.concatenate([gc, gwh], axis=-1)
    return {"pred_logits": pred_logits, "pred_xyxy": pred_xyxy, "gt_cxcywh": gt_cxcywh}


def reference(pred_logits, pred_xyxy, gt_cxcywh):
    B, N = pred_logits.shape[0], pred_logits.shape[1]
    G = gt_cxcywh.shape[1]
    cost, iou = compute_cost_and_iou(pred_logits, pred_xyxy, gt_cxcywh)
    cost_r = cost.reshape(B, N, B * G)
    iou_r = iou.reshape(B, N, B * G)
    masks = []
    gts = []
    for b in range(B):
        sub_cost = cost_r[b][:, b * G:(b + 1) * G]
        sub_iou = iou_r[b][:, b * G:(b + 1) * G]
        sel, gt_idx = dynamic_k_matching(sub_cost, sub_iou)
        masks.append(sel)
        gts.append(gt_idx)
    return jnp.stack(masks), jnp.stack(gts)

if __name__ == "__main__":
    import jax
    _d = setup_inputs()
    print(jax.jit(kernel)(*tuple(_d.values())))

</pallas_src>

<mosaic_0001>
module attributes {stable_mosaic.version = 14 : i64} {
  func.func @_tile_kernel(%arg0: i32, %arg1: i32, %arg2: memref<1x2000x1xf32, #tpu.memory_space<vmem>>, %arg3: memref<1x2000x1xf32, #tpu.memory_space<vmem>>, %arg4: memref<1x2000x1xf32, #tpu.memory_space<vmem>>, %arg5: memref<1x2000x1xf32, #tpu.memory_space<vmem>>, %arg6: memref<1x2000x1xf32, #tpu.memory_space<vmem>>, %arg7: memref<1x16x128xf32, #tpu.memory_space<vmem>>, %arg8: memref<1x2000x128xf32, #tpu.memory_space<vmem>>, %arg9: memref<1x8x128xf32, #tpu.memory_space<vmem>>, %arg10: memref<1x8x128xf32, #tpu.memory_space<vmem>>, %arg11: memref<1x8x128xi32, #tpu.memory_space<vmem>>, %arg12: memref<8x128xf32, #tpu.memory_space<vmem>>, %arg13: memref<8x128xi32, #tpu.memory_space<vmem>>, %arg14: memref<8x128xf32, #tpu.memory_space<vmem>>, %arg15: memref<8x128xi32, #tpu.memory_space<vmem>>) attributes {dimension_semantics = [#tpu.dimension_semantics<arbitrary>, #tpu.dimension_semantics<arbitrary>], iteration_bounds = array<i64: 2, 10>, scalar_prefetch = 0 : i64, scratch_operands = 4 : i64, tpu.core_type = #tpu.core_type<tc>, window_params = [{transform_indices = @transform_0, window_bounds = array<i64: 1, 2000, 1>}, {transform_indices = @transform_1, window_bounds = array<i64: 1, 2000, 1>}, {transform_indices = @transform_2, window_bounds = array<i64: 1, 2000, 1>}, {transform_indices = @transform_3, window_bounds = array<i64: 1, 2000, 1>}, {transform_indices = @transform_4, window_bounds = array<i64: 1, 2000, 1>}, {transform_indices = @transform_5, window_bounds = array<i64: 1, 16, 128>}, {transform_indices = @transform_6, window_bounds = array<i64: 1, 2000, 128>}, {transform_indices = @transform_7, window_bounds = array<i64: 1, 8, 128>}, {transform_indices = @transform_8, window_bounds = array<i64: 1, 8, 128>}, {transform_indices = @transform_9, window_bounds = array<i64: 1, 8, 128>}]} {
    %eq3A = arith.constant 0 : i32
    %eq3A_0 = arith.cmpi eq, %arg1, %eq3A : i32
    %convert_element_type3A = arith.extui %eq3A_0 : i1 to i32
    %cond3A = arith.constant 0 : i32
    %cond3A_1 = arith.cmpi ne, %convert_element_type3A, %cond3A : i32
    scf.if %cond3A_1 {
      %broadcast_in_dim3A_442 = arith.constant 0x7F800000 : f32
      %broadcast_in_dim3A_443 = vector.broadcast %broadcast_in_dim3A_442 : f32 to vector<8x128xf32>
      %swap3A_444 = arith.constant 0 : index
      %swap3A_445 = arith.constant 0 : index
      %swap3A_446 = vector.load %arg12[%swap3A_444, %swap3A_445] : memref<8x128xf32, #tpu.memory_space<vmem>>, vector<8x128xf32>
      tpu.vector_store %arg12[%swap3A_444, %swap3A_445], %broadcast_in_dim3A_443 {strides = array<i32>} : memref<8x128xf32, #tpu.memory_space<vmem>>, vector<8x128xf32>,
      %broadcast_in_dim3A_447 = arith.constant 1073741824 : i32
      %broadcast_in_dim3A_448 = vector.broadcast %broadcast_in_dim3A_447 : i32 to vector<8x128xi32>
      %swap3A_449 = arith.constant 0 : index
      %swap3A_450 = arith.constant 0 : index
      %swap3A_451 = vector.load %arg13[%swap3A_449, %swap3A_450] : memref<8x128xi32, #tpu.memory_space<vmem>>, vector<8x128xi32>
      tpu.vector_store %arg13[%swap3A_449, %swap3A_450], %broadcast_in_dim3A_448 {strides = array<i32>} : memref<8x128xi32, #tpu.memory_space<vmem>>, vector<8x128xi32>,
      %broadcast_in_dim3A_452 = arith.constant 0x7F800000 : f32
      %broadcast_in_dim3A_453 = vector.broadcast %broadcast_in_dim3A_452 : f32 to vector<8x128xf32>
      %swap3A_454 = arith.constant 0 : index
      %swap3A_455 = arith.constant 0 : index
      %swap3A_456 = vector.load %arg14[%swap3A_454, %swap3A_455] : memref<8x128xf32, #tpu.memory_space<vmem>>, vector<8x128xf32>
      tpu.vector_store %arg14[%swap3A_454, %swap3A_455], %broadcast_in_dim3A_453 {strides = array<i32>} : memref<8x128xf32, #tpu.memory_space<vmem>>, vector<8x128xf32>,
      %broadcast_in_dim3A_457 = arith.constant 1073741824 : i32
      %broadcast_in_dim3A_458 = vector.broadcast %broadcast_in_dim3A_457 : i32 to vector<8x128xi32>
      %swap3A_459 = arith.constant 0 : index
      %swap3A_460 = arith.constant 0 : index
      %swap3A_461 = vector.load %arg15[%swap3A_459, %swap3A_460] : memref<8x128xi32, #tpu.memory_space<vmem>>, vector<8x128xi32>
      tpu.vector_store %arg15[%swap3A_459, %swap3A_460], %broadcast_in_dim3A_458 {strides = array<i32>} : memref<8x128xi32, #tpu.memory_space<vmem>>, vector<8x128xi32>,
    } else {
    }
    %get3A = arith.constant 0 : index
    %get3A_2 = arith.constant 0 : index
    %get3A_3 = arith.constant 0 : index
    %get3A_4 = vector.load %arg2[%get3A, %get3A_2, %get3A_3] : memref<1x2000x1xf32, #tpu.memory_space<vmem>>, vector<1x2000x1xf32>
    %get3A_5 = vector.shape_cast %get3A_4 : vector<1x2000x1xf32> to vector<2000x1xf32>
    %get3A_6 = arith.constant 0 : index
    %get3A_7 = arith.constant 0 : index
    %get3A_8 = arith.constant 0 : index
    %get3A_9 = vector.load %arg3[%get3A_6, %get3A_7, %get3A_8] : memref<1x2000x1xf32, #tpu.memory_space<vmem>>, vector<1x2000x1xf32>
    %get3A_10 = vector.shape_cast %get3A_9 : vector<1x2000x1xf32> to vector<2000x1xf32>
    %get3A_11 = arith.constant 0 : index
    %get3A_12 = arith.constant 0 : index
    %get3A_13 = arith.constant 0 : index
    %get3A_14 = vector.load %arg4[%get3A_11, %get3A_12, %get3A_13] : memref<1x2000x1xf32, #tpu.memory_space<vmem>>, vector<1x2000x1xf32>
    %get3A_15 = vector.shape_cast %get3A_14 : vector<1x2000x1xf32> to vector<2000x1xf32>
    %get3A_16 = arith.constant 0 : index
    %get3A_17 = arith.constant 0 : index
    %get3A_18 = arith.constant 0 : index
    %get3A_19 = vector.load %arg5[%get3A_16, %get3A_17, %get3A_18] : memref<1x2000x1xf32, #tpu.memory_space<vmem>>, vector<1x2000x1xf32>
    %get3A_20 = vector.shape_cast %get3A_19 : vector<1x2000x1xf32> to vector<2000x1xf32>
    %get3A_21 = arith.constant 0 : index
    %get3A_22 = arith.constant 0 : index
    %get3A_23 = arith.constant 0 : index
    %get3A_24 = vector.load %arg6[%get3A_21, %get3A_22, %get3A_23] : memref<1x2000x1xf32, #tpu.memory_space<vmem>>, vector<1x2000x1xf32>
    %get3A_25 = vector.shape_cast %get3A_24 : vector<1x2000x1xf32> to vector<2000x1xf32>
    %get3A_26 = arith.constant 0 : index
    %get3A_27 = arith.constant 0 : index
    %get3A_28 = arith.constant 0 : index
    %get3A_29 = vector.load %arg7[%get3A_26, %get3A_27, %get3A_28] : memref<1x16x128xf32, #tpu.memory_space<vmem>>, vector<1x16x128xf32>
    %get3A_30 = vector.shape_cast %get3A_29 : vector<1x16x128xf32> to vector<16x128xf32>
    %slice3A = vector.extract_strided_slice %get3A_30 {offsets = [0, 0], sizes = [1, 128], strides = [1, 1]} : vector<16x128xf32> to vector<1x128xf32>
    %slice3A_31 = vector.extract_strided_slice %get3A_30 {offsets = [1, 0], sizes = [1, 128], strides = [1, 1]} : vector<16x128xf32> to vector<1x128xf32>
    %slice3A_32 = vector.extract_strided_slice %get3A_30 {offsets = [2, 0], sizes = [1, 128], strides = [1, 1]} : vector<16x128xf32> to vector<1x128xf32>
    %slice3A_33 = vector.extract_strided_slice %get3A_30 {offsets = [3, 0], sizes = [1, 128], strides = [1, 1]} : vector<16x128xf32> to vector<1x128xf32>
    %slice3A_34 = vector.extract_strided_slice %get3A_30 {offsets = [4, 0], sizes = [1, 128], strides = [1, 1]} : vector<16x128xf32> to vector<1x128xf32>
    %slice3A_35 = vector.extract_strided_slice %get3A_30 {offsets = [5, 0], sizes = [1, 128], strides = [1, 1]} : vector<16x128xf32> to vector<1x128xf32>
    %slice3A_36 = vector.extract_strided_slice %get3A_30 {offsets = [6, 0], sizes = [1, 128], strides = [1, 1]} : vector<16x128xf32> to vector<1x128xf32>
    %slice3A_37 = vector.extract_strided_slice %get3A_30 {offsets = [7, 0], sizes = [1, 128], strides = [1, 1]} : vector<16x128xf32> to vector<1x128xf32>
    %slice3A_38 = vector.extract_strided_slice %get3A_30 {offsets = [8, 0], sizes = [1, 128], strides = [1, 1]} : vector<16x128xf32> to vector<1x128xf32>
    %slice3A_39 = vector.extract_strided_slice %get3A_30 {offsets = [9, 0], sizes = [1, 128], strides = [1, 1]} : vector<16x128xf32> to vector<1x128xf32>
    %slice3A_40 = vector.extract_strided_slice %get3A_30 {offsets = [10, 0], sizes = [1, 128], strides = [1, 1]} : vector<16x128xf32> to vector<1x128xf32>
    %slice3A_41 = vector.extract_strided_slice %get3A_30 {offsets = [11, 0], sizes = [1, 128], strides = [1, 1]} : vector<16x128xf32> to vector<1x128xf32>
    %slice3A_42 = vector.extract_strided_slice %get3A_30 {offsets = [12, 0], sizes = [1, 128], strides = [1, 1]} : vector<16x128xf32> to vector<1x128xf32>
    %add3A = arith.addf %get3A_5, %get3A_15 : vector<2000x1xf32>
    %mul3A = arith.constant 5.000000e-01 : f32
    %mul3A_43 = vector.broadcast %mul3A : f32 to vector<2000x1xf32>
    %mul3A_44 = arith.mulf %add3A, %mul3A_43 : vector<2000x1xf32>
    %add3A_45 = arith.addf %get3A_10, %get3A_20 : vector<2000x1xf32>
    %mul3A_46 = arith.constant 5.000000e-01 : f32
    %mul3A_47 = vector.broadcast %mul3A_46 : f32 to vector<2000x1xf32>
    %mul3A_48 = arith.mulf %add3A_45, %mul3A_47 : vector<2000x1xf32>
    %gt3A = vector.broadcast %mul3A_44 : vector<2000x1xf32> to vector<2000x128xf32>
    %gt3A_49 = vector.broadcast %slice3A : vector<1x128xf32> to vector<2000x128xf32>
    %gt3A_50 = arith.cmpf ogt, %gt3A, %gt3A_49 : vector<2000x128xf32>
    %lt3A = vector.broadcast %mul3A_44 : vector<2000x1xf32> to vector<2000x128xf32>
    %lt3A_51 = vector.broadcast %slice3A_32 : vector<1x128xf32> to vector<2000x128xf32>
    %lt3A_52 = arith.cmpf olt, %lt3A, %lt3A_51 : vector<2000x128xf32>
    %and3A = arith.andi %gt3A_50, %lt3A_52 : vector<2000x128xi1>
    %gt3A_53 = vector.broadcast %mul3A_48 : vector<2000x1xf32> to vector<2000x128xf32>
    %gt3A_54 = vector.broadcast %slice3A_31 : vector<1x128xf32> to vector<2000x128xf32>
    %gt3A_55 = arith.cmpf ogt, %gt3A_53, %gt3A_54 : vector<2000x128xf32>
    %and3A_56 = arith.andi %and3A, %gt3A_55 : vector<2000x128xi1>
    %lt3A_57 = vector.broadcast %mul3A_48 : vector<2000x1xf32> to vector<2000x128xf32>
    %lt3A_58 = vector.broadcast %slice3A_33 : vector<1x128xf32> to vector<2000x128xf32>
    %lt3A_59 = arith.cmpf olt, %lt3A_57, %lt3A_58 : vector<2000x128xf32>
    %and3A_60 = arith.andi %and3A_56, %lt3A_59 : vector<2000x128xi1>
    %gt3A_61 = vector.broadcast %mul3A_44 : vector<2000x1xf32> to vector<2000x128xf32>
    %gt3A_62 = vector.broadcast %slice3A_34 : vector<1x128xf32> to vector<2000x128xf32>
    %gt3A_63 = arith.cmpf ogt, %gt3A_61, %gt3A_62 : vector<2000x128xf32>
    %lt3A_64 = vector.broadcast %mul3A_44 : vector<2000x1xf32> to vector<2000x128xf32>
    %lt3A_65 = vector.broadcast %slice3A_35 : vector<1x128xf32> to vector<2000x128xf32>
    %lt3A_66 = arith.cmpf olt, %lt3A_64, %lt3A_65 : vector<2000x128xf32>
    %and3A_67 = arith.andi %gt3A_63, %lt3A_66 : vector<2000x128xi1>
    %gt3A_68 = vector.broadcast %mul3A_48 : vector<2000x1xf32> to vector<2000x128xf32>
    %gt3A_69 = vector.broadcast %slice3A_36 : vector<1x128xf32> to vector<2000x128xf32>
    %gt3A_70 = arith.cmpf ogt, %gt3A_68, %gt3A_69 : vector<2000x128xf32>
    %and3A_71 = arith.andi %and3A_67, %gt3A_70 : vector<2000x128xi1>
    %lt3A_72 = vector.broadcast %mul3A_48 : vector<2000x1xf32> to vector<2000x128xf32>
    %lt3A_73 = vector.broadcast %slice3A_37 : vector<1x128xf32> to vector<2000x128xf32>
    %lt3A_74 = arith.cmpf olt, %lt3A_72, %lt3A_73 : vector<2000x128xf32>
    %and3A_75 = arith.andi %and3A_71, %lt3A_74 : vector<2000x128xi1>
    %reduce_or3A = arith.constant 1.000000e+00 : f32
    %reduce_or3A_76 = arith.constant 0.000000e+00 : f32
    %reduce_or3A_77 = vector.broadcast %reduce_or3A : f32 to vector<2000x128xf32>
    %reduce_or3A_78 = vector.broadcast %reduce_or3A_76 : f32 to vector<2000x128xf32>
    %reduce_or3A_79 = arith.select %and3A_75, %reduce_or3A_77, %reduce_or3A_78 : vector<2000x128xi1>, vector<2000x128xf32>
    %reduce_or3A_80 = arith.constant dense<0xFF800000> : vector<2000xf32>
    %reduce_or3A_81 = vector.multi_reduction <maximumf>, %reduce_or3A_79, %reduce_or3A_80 [1] : vector<2000x128xf32> to vector<2000xf32>
    %reduce_or3A_82 = arith.constant 0.000000e+00 : f32
    %reduce_or3A_83 = vector.broadcast %reduce_or3A_82 : f32 to vector<2000xf32>
    %reduce_or3A_84 = arith.cmpf ogt, %reduce_or3A_81, %reduce_or3A_83 : vector<2000xf32>
    %broadcast_in_dim3A = vector.shape_cast %reduce_or3A_84 : vector<2000xi1> to vector<2000x1xi1>
    %mul3A_85 = arith.constant 9.765625E-4 : f32
    %mul3A_86 = vector.broadcast %mul3A_85 : f32 to vector<2000x1xf32>
    %mul3A_87 = arith.mulf %get3A_5, %mul3A_86 : vector<2000x1xf32>
    %sub3A = vector.broadcast %mul3A_87 : vector<2000x1xf32> to vector<2000x128xf32>
    %sub3A_88 = vector.broadcast %slice3A_38 : vector<1x128xf32> to vector<2000x128xf32>
    %sub3A_89 = arith.subf %sub3A, %sub3A_88 : vector<2000x128xf32>
    %abs3A = math.absf %sub3A_89 : vector<2000x128xf32>
    %mul3A_90 = arith.constant 9.765625E-4 : f32
    %mul3A_91 = vector.broadcast %mul3A_90 : f32 to vector<2000x1xf32>
    %mul3A_92 = arith.mulf %get3A_10, %mul3A_91 : vector<2000x1xf32>
    %sub3A_93 = vector.broadcast %mul3A_92 : vector<2000x1xf32> to vector<2000x128xf32>
    %sub3A_94 = vector.broadcast %slice3A_39 : vector<1x128xf32> to vector<2000x128xf32>
    %sub3A_95 = arith.subf %sub3A_93, %sub3A_94 : vector<2000x128xf32>
    %abs3A_96 = math.absf %sub3A_95 : vector<2000x128xf32>
    %mul3A_97 = arith.constant 9.765625E-4 : f32
    %mul3A_98 = vector.broadcast %mul3A_97 : f32 to vector<2000x1xf32>
    %mul3A_99 = arith.mulf %get3A_15, %mul3A_98 : vector<2000x1xf32>
    %sub3A_100 = vector.broadcast %mul3A_99 : vector<2000x1xf32> to vector<2000x128xf32>
    %sub3A_101 = vector.broadcast %slice3A_40 : vector<1x128xf32> to vector<2000x128xf32>
    %sub3A_102 = arith.subf %sub3A_100, %sub3A_101 : vector<2000x128xf32>
    %abs3A_103 = math.absf %sub3A_102 : vector<2000x128xf32>
    %mul3A_104 = arith.constant 9.765625E-4 : f32
    %mul3A_105 = vector.broadcast %mul3A_104 : f32 to vector<2000x1xf32>
    %mul3A_106 = arith.mulf %get3A_20, %mul3A_105 : vector<2000x1xf32>
    %sub3A_107 = vector.broadcast %mul3A_106 : vector<2000x1xf32> to vector<2000x128xf32>
    %sub3A_108 = vector.broadcast %slice3A_41 : vector<1x128xf32> to vector<2000x128xf32>
    %sub3A_109 = arith.subf %sub3A_107, %sub3A_108 : vector<2000x128xf32>
    %abs3A_110 = math.absf %sub3A_109 : vector<2000x128xf32>
    %add3A_111 = arith.addf %abs3A, %abs3A_96 : vector<2000x128xf32>
    %add3A_112 = arith.addf %add3A_111, %abs3A_103 : vector<2000x128xf32>
    %add3A_113 = arith.addf %add3A_112, %abs3A_110 : vector<2000x128xf32>
    %sub3A_114 = arith.subf %get3A_15, %get3A_5 : vector<2000x1xf32>
    %sub3A_115 = arith.subf %get3A_20, %get3A_10 : vector<2000x1xf32>
    %mul3A_116 = arith.mulf %sub3A_114, %sub3A_115 : vector<2000x1xf32>
    %min3A = vector.broadcast %get3A_15 : vector<2000x1xf32> to vector<2000x128xf32>
    %min3A_117 = vector.broadcast %slice3A_32 : vector<1x128xf32> to vector<2000x128xf32>
    %min3A_118 = arith.minimumf %min3A, %min3A_117 : vector<2000x128xf32>
    %max3A = vector.broadcast %get3A_5 : vector<2000x1xf32> to vector<2000x128xf32>
    %max3A_119 = vector.broadcast %slice3A : vector<1x128xf32> to vector<2000x128xf32>
    %max3A_120 = arith.maximumf %max3A, %max3A_119 : vector<2000x128xf32>
    %sub3A_121 = arith.subf %min3A_118, %max3A_120 : vector<2000x128xf32>
    %jit3A = arith.constant 0.000000e+00 : f32
    %max3A_122 = vector.broadcast %jit3A : f32 to vector<2000x128xf32>
    %max3A_123 = arith.maximumf %max3A_122, %sub3A_121 : vector<2000x128xf32>
    %min3A_124 = vector.broadcast %get3A_20 : vector<2000x1xf32> to vector<2000x128xf32>
    %min3A_125 = vector.broadcast %slice3A_33 : vector<1x128xf32> to vector<2000x128xf32>
    %min3A_126 = arith.minimumf %min3A_124, %min3A_125 : vector<2000x128xf32>
    %max3A_127 = vector.broadcast %get3A_10 : vector<2000x1xf32> to vector<2000x128xf32>
    %max3A_128 = vector.broadcast %slice3A_31 : vector<1x128xf32> to vector<2000x128xf32>
    %max3A_129 = arith.maximumf %max3A_127, %max3A_128 : vector<2000x128xf32>
    %sub3A_130 = arith.subf %min3A_126, %max3A_129 : vector<2000x128xf32>
    %jit3A_131 = arith.constant 0.000000e+00 : f32
    %max3A_132 = vector.broadcast %jit3A_131 : f32 to vector<2000x128xf32>
    %max3A_133 = arith.maximumf %max3A_132, %sub3A_130 : vector<2000x128xf32>
    %mul3A_134 = arith.mulf %max3A_123, %max3A_133 : vector<2000x128xf32>
    %add3A_135 = vector.broadcast %mul3A_116 : vector<2000x1xf32> to vector<2000x128xf32>
    %add3A_136 = vector.broadcast %slice3A_42 : vector<1x128xf32> to vector<2000x128xf32>
    %add3A_137 = arith.addf %add3A_135, %add3A_136 : vector<2000x128xf32>
    %sub3A_138 = arith.subf %add3A_137, %mul3A_134 : vector<2000x128xf32>
    %add3A_139 = arith.constant 9.99999993E-9 : f32
    %add3A_140 = vector.broadcast %add3A_139 : f32 to vector<2000x128xf32>
    %add3A_141 = arith.addf %sub3A_138, %add3A_140 : vector<2000x128xf32>
    %div3A = arith.divf %mul3A_134, %add3A_141 : vector<2000x128xf32>
    %max3A_142 = vector.broadcast %get3A_15 : vector<2000x1xf32> to vector<2000x128xf32>
    %max3A_143 = vector.broadcast %slice3A_32 : vector<1x128xf32> to vector<2000x128xf32>
    %max3A_144 = arith.maximumf %max3A_142, %max3A_143 : vector<2000x128xf32>
    %min3A_145 = vector.broadcast %get3A_5 : vector<2000x1xf32> to vector<2000x128xf32>
    %min3A_146 = vector.broadcast %slice3A : vector<1x128xf32> to vector<2000x128xf32>
    %min3A_147 = arith.minimumf %min3A_145, %min3A_146 : vector<2000x128xf32>
    %sub3A_148 = arith.subf %max3A_144, %min3A_147 : vector<2000x128xf32>
    %jit3A_149 = arith.constant 0.000000e+00 : f32
    %max3A_150 = vector.broadcast %jit3A_149 : f32 to vector<2000x128xf32>
    %max3A_151 = arith.maximumf %max3A_150, %sub3A_148 : vector<2000x128xf32>
    %max3A_152 = vector.broadcast %get3A_20 : vector<2000x1xf32> to vector<2000x128xf32>
    %max3A_153 = vector.broadcast %slice3A_33 : vector<1x128xf32> to vector<2000x128xf32>
    %max3A_154 = arith.maximumf %max3A_152, %max3A_153 : vector<2000x128xf32>
    %min3A_155 = vector.broadcast %get3A_10 : vector<2000x1xf32> to vector<2000x128xf32>
    %min3A_156 = vector.broadcast %slice3A_31 : vector<1x128xf32> to vector<2000x128xf32>
    %min3A_157 = arith.minimumf %min3A_155, %min3A_156 : vector<2000x128xf32>
    %sub3A_158 = arith.subf %max3A_154, %min3A_157 : vector<2000x128xf32>
    %jit3A_159 = arith.constant 0.000000e+00 : f32
    %max3A_160 = vector.broadcast %jit3A_159 : f32 to vector<2000x128xf32>
    %max3A_161 = arith.maximumf %max3A_160, %sub3A_158 : vector<2000x128xf32>
    %mul3A_162 = arith.mulf %max3A_151, %max3A_161 : vector<2000x128xf32>
    %sub3A_163 = arith.subf %mul3A_162, %sub3A_138 : vector<2000x128xf32>
    %add3A_164 = arith.constant 9.99999993E-9 : f32
    %add3A_165 = vector.broadcast %add3A_164 : f32 to vector<2000x128xf32>
    %add3A_166 = arith.addf %mul3A_162, %add3A_165 : vector<2000x128xf32>
    %div3A_167 = arith.divf %sub3A_163, %add3A_166 : vector<2000x128xf32>
    %sub3A_168 = arith.subf %div3A, %div3A_167 : vector<2000x128xf32>
    %mul3A_169 = arith.constant 5.000000e+00 : f32
    %mul3A_170 = vector.broadcast %mul3A_169 : f32 to vector<2000x128xf32>
    %mul3A_171 = arith.mulf %mul3A_170, %add3A_113 : vector<2000x128xf32>
    %mul3A_172 = arith.constant 2.000000e+00 : f32
    %mul3A_173 = vector.broadcast %mul3A_172 : f32 to vector<2000x1xf32>
    %mul3A_174 = arith.mulf %mul3A_173, %get3A_25 : vector<2000x1xf32>
    %add3A_175 = vector.broadcast %mul3A_174 : vector<2000x1xf32> to vector<2000x128xf32>
    %add3A_176 = arith.addf %mul3A_171, %add3A_175 : vector<2000x128xf32>
    %neg3A = arith.constant 0.000000e+00 : f32
    %neg3A_177 = vector.broadcast %neg3A : f32 to vector<2000x128xf32>
    %neg3A_178 = arith.subf %neg3A_177, %sub3A_168 : vector<2000x128xf32>
    %mul3A_179 = arith.constant 2.000000e+00 : f32
    %mul3A_180 = vector.broadcast %mul3A_179 : f32 to vector<2000x128xf32>
    %mul3A_181 = arith.mulf %mul3A_180, %neg3A_178 : vector<2000x128xf32>
    %add3A_182 = arith.addf %add3A_176, %mul3A_181 : vector<2000x128xf32>
    %jit3A_183 = arith.constant 0.000000e+00 : f32
    %jit3A_184 = arith.constant 1.000000e+02 : f32
    %broadcast_in_dim3A_185 = vector.broadcast %jit3A_183 : f32 to vector<2000x128xf32>
    %broadcast_in_dim3A_186 = vector.broadcast %jit3A_184 : f32 to vector<2000x128xf32>
    %select_n3A = arith.select %and3A_60, %broadcast_in_dim3A_185, %broadcast_in_dim3A_186 : vector<2000x128xi1>, vector<2000x128xf32>
    %add3A_187 = arith.addf %add3A_182, %select_n3A : vector<2000x128xf32>
    %jit3A_188 = arith.constant 0.000000e+00 : f32
    %jit3A_189 = arith.constant 1.000000e+04 : f32
    %broadcast_in_dim3A_190 = vector.broadcast %jit3A_188 : f32 to vector<2000x1xf32>
    %broadcast_in_dim3A_191 = vector.broadcast %jit3A_189 : f32 to vector<2000x1xf32>
    %select_n3A_192 = arith.select %broadcast_in_dim3A, %broadcast_in_dim3A_190, %broadcast_in_dim3A_191 : vector<2000x1xi1>, vector<2000x1xf32>
    %add3A_193 = vector.broadcast %select_n3A_192 : vector<2000x1xf32> to vector<2000x128xf32>
    %add3A_194 = arith.addf %add3A_187, %add3A_193 : vector<2000x128xf32>
    %iota3A = tpu.iota {dimensions = array<i32: 1>} : vector<1x128xi32>
    %lt3A_195 = arith.constant 100 : i32
    %lt3A_196 = vector.broadcast %lt3A_195 : i32 to vector<1x128xi32>
    %lt3A_197 = arith.cmpi slt, %iota3A, %lt3A_196 : vector<1x128xi32>
    %jit3A_198 = arith.constant 0x7F800000 : f32
    %broadcast_in_dim3A_199 = vector.shape_cast %lt3A_197 : vector<1x128xi1> to vector<1x128xi1>
    %broadcast_in_dim3A_200 = vector.broadcast %broadcast_in_dim3A_199 : vector<1x128xi1> to vector<2000x128xi1>
    %broadcast_in_dim3A_201 = vector.broadcast %jit3A_198 : f32 to vector<2000x128xf32>
    %select_n3A_202 = arith.select %broadcast_in_dim3A_200, %add3A_194, %broadcast_in_dim3A_201 : vector<2000x128xi1>, vector<2000x128xf32>
    %swap3A = arith.constant 0 : index
    %swap3A_203 = arith.constant 0 : index
    %swap3A_204 = arith.constant 0 : index
    %swap3A_205 = vector.load %arg8[%swap3A, %swap3A_203, %swap3A_204] : memref<1x2000x128xf32, #tpu.memory_space<vmem>>, vector<1x2000x128xf32>
    %swap3A_206 = vector.shape_cast %swap3A_205 : vector<1x2000x128xf32> to vector<2000x128xf32>
    %swap3A_207 = vector.shape_cast %select_n3A_202 : vector<2000x128xf32> to vector<1x2000x128xf32>
    tpu.vector_store %arg8[%swap3A, %swap3A_203, %swap3A_204], %swap3A_207 {strides = array<i32>} : memref<1x2000x128xf32, #tpu.memory_space<vmem>>, vector<1x2000x128xf32>,
    %iota3A_208 = tpu.iota {dimensions = array<i32: 0>} : vector<2000x128xi32>
    %mul3A_209 = arith.constant 2000 : i32
    %mul3A_210 = arith.muli %arg1, %mul3A_209 : i32
    %add3A_211 = vector.broadcast %mul3A_210 : i32 to vector<2000x128xi32>
    %add3A_212 = arith.addi %iota3A_208, %add3A_211 : vector<2000x128xi32>
    %get3A_213 = arith.constant 0 : index
    %get3A_214 = arith.constant 0 : index
    %get3A_215 = vector.load %arg14[%get3A_213, %get3A_214] : memref<8x128xf32, #tpu.memory_space<vmem>>, vector<8x128xf32>
    %concatenate3A = tpu.concatenate %select_n3A_202, %get3A_215 in 0 : vector<2000x128xf32>, vector<8x128xf32> -> vector<2008x128xf32>
    %get3A_216 = arith.constant 0 : index
    %get3A_217 = arith.constant 0 : index
    %get3A_218 = vector.load %arg15[%get3A_216, %get3A_217] : memref<8x128xi32, #tpu.memory_space<vmem>>, vector<8x128xi32>
    %concatenate3A_219 = tpu.concatenate %add3A_212, %get3A_218 in 0 : vector<2000x128xi32>, vector<8x128xi32> -> vector<2008x128xi32>
    %reduce_min3A = arith.constant dense<0x7F800000> : vector<128xf32>
    %reduce_min3A_220 = vector.multi_reduction <minimumf>, %concatenate3A, %reduce_min3A [0] : vector<2008x128xf32> to vector<128xf32>
    %broadcast_in_dim3A_221 = vector.shape_cast %reduce_min3A_220 : vector<128xf32> to vector<1x128xf32>
    %eq3A_222 = vector.broadcast %broadcast_in_dim3A_221 : vector<1x128xf32> to vector<2008x128xf32>
    %eq3A_223 = arith.cmpf oeq, %concatenate3A, %eq3A_222 : vector<2008x128xf32>
    %jit3A_224 = arith.constant 1073741824 : i32
    %broadcast_in_dim3A_225 = vector.broadcast %jit3A_224 : i32 to vector<2008x128xi32>
    %select_n3A_226 = arith.select %eq3A_223, %concatenate3A_219, %broadcast_in_dim3A_225 : vector<2008x128xi1>, vector<2008x128xi32>
    %reduce_min3A_227 = arith.constant dense<2147483647> : vector<128xi32>
    %reduce_min3A_228 = vector.multi_reduction <minsi>, %select_n3A_226, %reduce_min3A_227 [0] : vector<2008x128xi32> to vector<128xi32>
    %broadcast_in_dim3A_229 = vector.shape_cast %reduce_min3A_228 : vector<128xi32> to vector<1x128xi32>
    %eq3A_230 = vector.broadcast %broadcast_in_dim3A_229 : vector<1x128xi32> to vector<2008x128xi32>
    %eq3A_231 = arith.cmpi eq, %concatenate3A_219, %eq3A_230 : vector<2008x128xi32>
    %and3A_232 = arith.andi %eq3A_223, %eq3A_231 : vector<2008x128xi1>
    %jit3A_233 = arith.constant 0x7F800000 : f32
    %broadcast_in_dim3A_234 = vector.broadcast %jit3A_233 : f32 to vector<2008x128xf32>
    %select_n3A_235 = arith.select %and3A_232, %broadcast_in_dim3A_234, %concatenate3A : vector<2008x128xi1>, vector<2008x128xf32>
    %reduce_min3A_236 = arith.constant dense<0x7F800000> : vector<128xf32>
    %reduce_min3A_237 = vector.multi_reduction <minimumf>, %select_n3A_235, %reduce_min3A_236 [0] : vector<2008x128xf32> to vector<128xf32>
    %broadcast_in_dim3A_238 = vector.shape_cast %reduce_min3A_237 : vector<128xf32> to vector<1x128xf32>
    %eq3A_239 = vector.broadcast %broadcast_in_dim3A_238 : vector<1x128xf32> to vector<2008x128xf32>
    %eq3A_240 = arith.cmpf oeq, %select_n3A_235, %eq3A_239 : vector<2008x128xf32>
    %jit3A_241 = arith.constant 1073741824 : i32
    %broadcast_in_dim3A_242 = vector.broadcast %jit3A_241 : i32 to vector<2008x128xi32>
    %select_n3A_243 = arith.select %eq3A_240, %concatenate3A_219, %broadcast_in_dim3A_242 : vector<2008x128xi1>, vector<2008x128xi32>
    %reduce_min3A_244 = arith.constant dense<2147483647> : vector<128xi32>
    %reduce_min3A_245 = vector.multi_reduction <minsi>, %select_n3A_243, %reduce_min3A_244 [0] : vector<2008x128xi32> to vector<128xi32>
    %broadcast_in_dim3A_246 = vector.shape_cast %reduce_min3A_245 : vector<128xi32> to vector<1x128xi32>
    %eq3A_247 = vector.broadcast %broadcast_in_dim3A_246 : vector<1x128xi32> to vector<2008x128xi32>
    %eq3A_248 = arith.cmpi eq, %concatenate3A_219, %eq3A_247 : vector<2008x128xi32>
    %and3A_249 = arith.andi %eq3A_240, %eq3A_248 : vector<2008x128xi1>
    %jit3A_250 = arith.constant 0x7F800000 : f32
    %broadcast_in_dim3A_251 = vector.broadcast %jit3A_250 : f32 to vector<2008x128xf32>
    %select_n3A_252 = arith.select %and3A_249, %broadcast_in_dim3A_251, %select_n3A_235 : vector<2008x128xi1>, vector<2008x128xf32>
    %reduce_min3A_253 = arith.constant dense<0x7F800000> : vector<128xf32>
    %reduce_min3A_254 = vector.multi_reduction <minimumf>, %select_n3A_252, %reduce_min3A_253 [0] : vector<2008x128xf32> to vector<128xf32>
    %broadcast_in_dim3A_255 = vector.shape_cast %reduce_min3A_254 : vector<128xf32> to vector<1x128xf32>
    %eq3A_256 = vector.broadcast %broadcast_in_dim3A_255 : vector<1x128xf32> to vector<2008x128xf32>
    %eq3A_257 = arith.cmpf oeq, %select_n3A_252, %eq3A_256 : vector<2008x128xf32>
    %jit3A_258 = arith.constant 1073741824 : i32
    %broadcast_in_dim3A_259 = vector.broadcast %jit3A_258 : i32 to vector<2008x128xi32>
    %select_n3A_260 = arith.select %eq3A_257, %concatenate3A_219, %broadcast_in_dim3A_259 : vector<2008x128xi1>, vector<2008x128xi32>
    %reduce_min3A_261 = arith.constant dense<2147483647> : vector<128xi32>
    %reduce_min3A_262 = vector.multi_reduction <minsi>, %select_n3A_260, %reduce_min3A_261 [0] : vector<2008x128xi32> to vector<128xi32>
    %broadcast_in_dim3A_263 = vector.shape_cast %reduce_min3A_262 : vector<128xi32> to vector<1x128xi32>
    %eq3A_264 = vector.broadcast %broadcast_in_dim3A_263 : vector<1x128xi32> to vector<2008x128xi32>
    %eq3A_265 = arith.cmpi eq, %concatenate3A_219, %eq3A_264 : vector<2008x128xi32>
    %and3A_266 = arith.andi %eq3A_257, %eq3A_265 : vector<2008x128xi1>
    %jit3A_267 = arith.constant 0x7F800000 : f32
    %broadcast_in_dim3A_268 = vector.broadcast %jit3A_267 : f32 to vector<2008x128xf32>
    %select_n3A_269 = arith.select %and3A_266, %broadcast_in_dim3A_268, %select_n3A_252 : vector<2008x128xi1>, vector<2008x128xf32>
    %reduce_min3A_270 = arith.constant dense<0x7F800000> : vector<128xf32>
    %reduce_min3A_271 = vector.multi_reduction <minimumf>, %select_n3A_269, %reduce_min3A_270 [0] : vector<2008x128xf32> to vector<128xf32>
    %broadcast_in_dim3A_272 = vector.shape_cast %reduce_min3A_271 : vector<128xf32> to vector<1x128xf32>
    %eq3A_273 = vector.broadcast %broadcast_in_dim3A_272 : vector<1x128xf32> to vector<2008x128xf32>
    %eq3A_274 = arith.cmpf oeq, %select_n3A_269, %eq3A_273 : vector<2008x128xf32>
    %jit3A_275 = arith.constant 1073741824 : i32
    %broadcast_in_dim3A_276 = vector.broadcast %jit3A_275 : i32 to vector<2008x128xi32>
    %select_n3A_277 = arith.select %eq3A_274, %concatenate3A_219, %broadcast_in_dim3A_276 : vector<2008x128xi1>, vector<2008x128xi32>
    %reduce_min3A_278 = arith.constant dense<2147483647> : vector<128xi32>
    %reduce_min3A_279 = vector.multi_reduction <minsi>, %select_n3A_277, %reduce_min3A_278 [0] : vector<2008x128xi32> to vector<128xi32>
    %broadcast_in_dim3A_280 = vector.shape_cast %reduce_min3A_279 : vector<128xi32> to vector<1x128xi32>
    %eq3A_281 = vector.broadcast %broadcast_in_dim3A_280 : vector<1x128xi32> to vector<2008x128xi32>
    %eq3A_282 = arith.cmpi eq, %concatenate3A_219, %eq3A_281 : vector<2008x128xi32>
    %and3A_283 = arith.andi %eq3A_274, %eq3A_282 : vector<2008x128xi1>
    %jit3A_284 = arith.constant 0x7F800000 : f32
    %broadcast_in_dim3A_285 = vector.broadcast %jit3A_284 : f32 to vector<2008x128xf32>
    %select_n3A_286 = arith.select %and3A_283, %broadcast_in_dim3A_285, %select_n3A_269 : vector<2008x128xi1>, vector<2008x128xf32>
    %reduce_min3A_287 = arith.constant dense<0x7F800000> : vector<128xf32>
    %reduce_min3A_288 = vector.multi_reduction <minimumf>, %select_n3A_286, %reduce_min3A_287 [0] : vector<2008x128xf32> to vector<128xf32>
    %broadcast_in_dim3A_289 = vector.shape_cast %reduce_min3A_288 : vector<128xf32> to vector<1x128xf32>
    %eq3A_290 = vector.broadcast %broadcast_in_dim3A_289 : vector<1x128xf32> to vector<2008x128xf32>
    %eq3A_291 = arith.cmpf oeq, %select_n3A_286, %eq3A_290 : vector<2008x128xf32>
    %jit3A_292 = arith.constant 1073741824 : i32
    %broadcast_in_dim3A_293 = vector.broadcast %jit3A_292 : i32 to vector<2008x128xi32>
    %select_n3A_294 = arith.select %eq3A_291, %concatenate3A_219, %broadcast_in_dim3A_293 : vector<2008x128xi1>, vector<2008x128xi32>
    %reduce_min3A_295 = arith.constant dense<2147483647> : vector<128xi32>
    %reduce_min3A_296 = vector.multi_reduction <minsi>, %select_n3A_294, %reduce_min3A_295 [0] : vector<2008x128xi32> to vector<128xi32>
    %broadcast_in_dim3A_297 = vector.shape_cast %reduce_min3A_296 : vector<128xi32> to vector<1x128xi32>
    %broadcast_in_dim3A_298 = arith.constant 0x7F800000 : f32
    %broadcast_in_dim3A_299 = vector.broadcast %broadcast_in_dim3A_298 : f32 to vector<3x128xf32>
    %broadcast_in_dim3A_300 = arith.constant 1073741824 : i32
    %broadcast_in_dim3A_301 = vector.broadcast %broadcast_in_dim3A_300 : i32 to vector<3x128xi32>
    %concatenate3A_302 = tpu.concatenate %broadcast_in_dim3A_221, %broadcast_in_dim3A_238, %broadcast_in_dim3A_255, %broadcast_in_dim3A_272, %broadcast_in_dim3A_289, %broadcast_in_dim3A_299 in 0 : vector<1x128xf32>, vector<1x128xf32>, vector<1x128xf32>, vector<1x128xf32>, vector<1x128xf32>, vector<3x128xf32> -> vector<8x128xf32>
    %concatenate3A_303 = tpu.concatenate %broadcast_in_dim3A_229, %broadcast_in_dim3A_246, %broadcast_in_dim3A_263, %broadcast_in_dim3A_280, %broadcast_in_dim3A_297, %broadcast_in_dim3A_301 in 0 : vector<1x128xi32>, vector<1x128xi32>, vector<1x128xi32>, vector<1x128xi32>, vector<1x128xi32>, vector<3x128xi32> -> vector<8x128xi32>
    %swap3A_304 = arith.constant 0 : index
    %swap3A_305 = arith.constant 0 : index
    %swap3A_306 = vector.load %arg14[%swap3A_304, %swap3A_305] : memref<8x128xf32, #tpu.memory_space<vmem>>, vector<8x128xf32>
    tpu.vector_store %arg14[%swap3A_304, %swap3A_305], %concatenate3A_302 {strides = array<i32>} : memref<8x128xf32, #tpu.memory_space<vmem>>, vector<8x128xf32>,
    %swap3A_307 = arith.constant 0 : index
    %swap3A_308 = arith.constant 0 : index
    %swap3A_309 = vector.load %arg15[%swap3A_307, %swap3A_308] : memref<8x128xi32, #tpu.memory_space<vmem>>, vector<8x128xi32>
    tpu.vector_store %arg15[%swap3A_307, %swap3A_308], %concatenate3A_303 {strides = array<i32>} : memref<8x128xi32, #tpu.memory_space<vmem>>, vector<8x128xi32>,
    %neg3A_310 = arith.constant 0.000000e+00 : f32
    %neg3A_311 = vector.broadcast %neg3A_310 : f32 to vector<2000x128xf32>
    %neg3A_312 = arith.subf %neg3A_311, %div3A : vector<2000x128xf32>
    %get3A_313 = arith.constant 0 : index
    %get3A_314 = arith.constant 0 : index
    %get3A_315 = vector.load %arg12[%get3A_313, %get3A_314] : memref<8x128xf32, #tpu.memory_space<vmem>>, vector<8x128xf32>
    %concatenate3A_316 = tpu.concatenate %neg3A_312, %get3A_315 in 0 : vector<2000x128xf32>, vector<8x128xf32> -> vector<2008x128xf32>
    %get3A_317 = arith.constant 0 : index
    %get3A_318 = arith.constant 0 : index
    %get3A_319 = vector.load %arg13[%get3A_317, %get3A_318] : memref<8x128xi32, #tpu.memory_space<vmem>>, vector<8x128xi32>
    %concatenate3A_320 = tpu.concatenate %add3A_212, %get3A_319 in 0 : vector<2000x128xi32>, vector<8x128xi32> -> vector<2008x128xi32>
    %reduce_min3A_321 = arith.constant dense<0x7F800000> : vector<128xf32>
    %reduce_min3A_322 = vector.multi_reduction <minimumf>, %concatenate3A_316, %reduce_min3A_321 [0] : vector<2008x128xf32> to vector<128xf32>
    %broadcast_in_dim3A_323 = vector.shape_cast %reduce_min3A_322 : vector<128xf32> to vector<1x128xf32>
    %eq3A_324 = vector.broadcast %broadcast_in_dim3A_323 : vector<1x128xf32> to vector<2008x128xf32>
    %eq3A_325 = arith.cmpf oeq, %concatenate3A_316, %eq3A_324 : vector<2008x128xf32>
    %jit3A_326 = arith.constant 1073741824 : i32
    %broadcast_in_dim3A_327 = vector.broadcast %jit3A_326 : i32 to vector<2008x128xi32>
    %select_n3A_328 = arith.select %eq3A_325, %concatenate3A_320, %broadcast_in_dim3A_327 : vector<2008x128xi1>, vector<2008x128xi32>
    %reduce_min3A_329 = arith.constant dense<2147483647> : vector<128xi32>
    %reduce_min3A_330 = vector.multi_reduction <minsi>, %select_n3A_328, %reduce_min3A_329 [0] : vector<2008x128xi32> to vector<128xi32>
    %broadcast_in_dim3A_331 = vector.shape_cast %reduce_min3A_330 : vector<128xi32> to vector<1x128xi32>
    %eq3A_332 = vector.broadcast %broadcast_in_dim3A_331 : vector<1x128xi32> to vector<2008x128xi32>
    %eq3A_333 = arith.cmpi eq, %concatenate3A_320, %eq3A_332 : vector<2008x128xi32>
    %and3A_334 = arith.andi %eq3A_325, %eq3A_333 : vector<2008x128xi1>
    %jit3A_335 = arith.constant 0x7F800000 : f32
    %broadcast_in_dim3A_336 = vector.broadcast %jit3A_335 : f32 to vector<2008x128xf32>
    %select_n3A_337 = arith.select %and3A_334, %broadcast_in_dim3A_336, %concatenate3A_316 : vector<2008x128xi1>, vector<2008x128xf32>
    %reduce_min3A_338 = arith.constant dense<0x7F800000> : vector<128xf32>
    %reduce_min3A_339 = vector.multi_reduction <minimumf>, %select_n3A_337, %reduce_min3A_338 [0] : vector<2008x128xf32> to vector<128xf32>
    %broadcast_in_dim3A_340 = vector.shape_cast %reduce_min3A_339 : vector<128xf32> to vector<1x128xf32>
    %eq3A_341 = vector.broadcast %broadcast_in_dim3A_340 : vector<1x128xf32> to vector<2008x128xf32>
    %eq3A_342 = arith.cmpf oeq, %select_n3A_337, %eq3A_341 : vector<2008x128xf32>
    %jit3A_343 = arith.constant 1073741824 : i32
    %broadcast_in_dim3A_344 = vector.broadcast %jit3A_343 : i32 to vector<2008x128xi32>
    %select_n3A_345 = arith.select %eq3A_342, %concatenate3A_320, %broadcast_in_dim3A_344 : vector<2008x128xi1>, vector<2008x128xi32>
    %reduce_min3A_346 = arith.constant dense<2147483647> : vector<128xi32>
    %reduce_min3A_347 = vector.multi_reduction <minsi>, %select_n3A_345, %reduce_min3A_346 [0] : vector<2008x128xi32> to vector<128xi32>
    %broadcast_in_dim3A_348 = vector.shape_cast %reduce_min3A_347 : vector<128xi32> to vector<1x128xi32>
    %eq3A_349 = vector.broadcast %broadcast_in_dim3A_348 : vector<1x128xi32> to vector<2008x128xi32>
    %eq3A_350 = arith.cmpi eq, %concatenate3A_320, %eq3A_349 : vector<2008x128xi32>
    %and3A_351 = arith.andi %eq3A_342, %eq3A_350 : vector<2008x128xi1>
    %jit3A_352 = arith.constant 0x7F800000 : f32
    %broadcast_in_dim3A_353 = vector.broadcast %jit3A_352 : f32 to vector<2008x128xf32>
    %select_n3A_354 = arith.select %and3A_351, %broadcast_in_dim3A_353, %select_n3A_337 : vector<2008x128xi1>, vector<2008x128xf32>
    %reduce_min3A_355 = arith.constant dense<0x7F800000> : vector<128xf32>
    %reduce_min3A_356 = vector.multi_reduction <minimumf>, %select_n3A_354, %reduce_min3A_355 [0] : vector<2008x128xf32> to vector<128xf32>
    %broadcast_in_dim3A_357 = vector.shape_cast %reduce_min3A_356 : vector<128xf32> to vector<1x128xf32>
    %eq3A_358 = vector.broadcast %broadcast_in_dim3A_357 : vector<1x128xf32> to vector<2008x128xf32>
    %eq3A_359 = arith.cmpf oeq, %select_n3A_354, %eq3A_358 : vector<2008x128xf32>
    %jit3A_360 = arith.constant 1073741824 : i32
    %broadcast_in_dim3A_361 = vector.broadcast %jit3A_360 : i32 to vector<2008x128xi32>
    %select_n3A_362 = arith.select %eq3A_359, %concatenate3A_320, %broadcast_in_dim3A_361 : vector<2008x128xi1>, vector<2008x128xi32>
    %reduce_min3A_363 = arith.constant dense<2147483647> : vector<128xi32>
    %reduce_min3A_364 = vector.multi_reduction <minsi>, %select_n3A_362, %reduce_min3A_363 [0] : vector<2008x128xi32> to vector<128xi32>
    %broadcast_in_dim3A_365 = vector.shape_cast %reduce_min3A_364 : vector<128xi32> to vector<1x128xi32>
    %eq3A_366 = vector.broadcast %broadcast_in_dim3A_365 : vector<1x128xi32> to vector<2008x128xi32>
    %eq3A_367 = arith.cmpi eq, %concatenate3A_320, %eq3A_366 : vector<2008x128xi32>
    %and3A_368 = arith.andi %eq3A_359, %eq3A_367 : vector<2008x128xi1>
    %jit3A_369 = arith.constant 0x7F800000 : f32
    %broadcast_in_dim3A_370 = vector.broadcast %jit3A_369 : f32 to vector<2008x128xf32>
    %select_n3A_371 = arith.select %and3A_368, %broadcast_in_dim3A_370, %select_n3A_354 : vector<2008x128xi1>, vector<2008x128xf32>
    %reduce_min3A_372 = arith.constant dense<0x7F800000> : vector<128xf32>
    %reduce_min3A_373 = vector.multi_reduction <minimumf>, %select_n3A_371, %reduce_min3A_372 [0] : vector<2008x128xf32> to vector<128xf32>
    %broadcast_in_dim3A_374 = vector.shape_cast %reduce_min3A_373 : vector<128xf32> to vector<1x128xf32>
    %eq3A_375 = vector.broadcast %broadcast_in_dim3A_374 : vector<1x128xf32> to vector<2008x128xf32>
    %eq3A_376 = arith.cmpf oeq, %select_n3A_371, %eq3A_375 : vector<2008x128xf32>
    %jit3A_377 = arith.constant 1073741824 : i32
    %broadcast_in_dim3A_378 = vector.broadcast %jit3A_377 : i32 to vector<2008x128xi32>
    %select_n3A_379 = arith.select %eq3A_376, %concatenate3A_320, %broadcast_in_dim3A_378 : vector<2008x128xi1>, vector<2008x128xi32>
    %reduce_min3A_380 = arith.constant dense<2147483647> : vector<128xi32>
    %reduce_min3A_381 = vector.multi_reduction <minsi>, %select_n3A_379, %reduce_min3A_380 [0] : vector<2008x128xi32> to vector<128xi32>
    %broadcast_in_dim3A_382 = vector.shape_cast %reduce_min3A_381 : vector<128xi32> to vector<1x128xi32>
    %eq3A_383 = vector.broadcast %broadcast_in_dim3A_382 : vector<1x128xi32> to vector<2008x128xi32>
    %eq3A_384 = arith.cmpi eq, %concatenate3A_320, %eq3A_383 : vector<2008x128xi32>
    %and3A_385 = arith.andi %eq3A_376, %eq3A_384 : vector<2008x128xi1>
    %jit3A_386 = arith.constant 0x7F800000 : f32
    %broadcast_in_dim3A_387 = vector.broadcast %jit3A_386 : f32 to vector<2008x128xf32>
    %select_n3A_388 = arith.select %and3A_385, %broadcast_in_dim3A_387, %select_n3A_371 : vector<2008x128xi1>, vector<2008x128xf32>
    %reduce_min3A_389 = arith.constant dense<0x7F800000> : vector<128xf32>
    %reduce_min3A_390 = vector.multi_reduction <minimumf>, %select_n3A_388, %reduce_min3A_389 [0] : vector<2008x128xf32> to vector<128xf32>
    %broadcast_in_dim3A_391 = vector.shape_cast %reduce_min3A_390 : vector<128xf32> to vector<1x128xf32>
    %eq3A_392 = vector.broadcast %broadcast_in_dim3A_391 : vector<1x128xf32> to vector<2008x128xf32>
    %eq3A_393 = arith.cmpf oeq, %select_n3A_388, %eq3A_392 : vector<2008x128xf32>
    %jit3A_394 = arith.constant 1073741824 : i32
    %broadcast_in_dim3A_395 = vector.broadcast %jit3A_394 : i32 to vector<2008x128xi32>
    %select_n3A_396 = arith.select %eq3A_393, %concatenate3A_320, %broadcast_in_dim3A_395 : vector<2008x128xi1>, vector<2008x128xi32>
    %reduce_min3A_397 = arith.constant dense<2147483647> : vector<128xi32>
    %reduce_min3A_398 = vector.multi_reduction <minsi>, %select_n3A_396, %reduce_min3A_397 [0] : vector<2008x128xi32> to vector<128xi32>
    %broadcast_in_dim3A_399 = vector.shape_cast %reduce_min3A_398 : vector<128xi32> to vector<1x128xi32>
    %broadcast_in_dim3A_400 = arith.constant 0x7F800000 : f32
    %broadcast_in_dim3A_401 = vector.broadcast %broadcast_in_dim3A_400 : f32 to vector<3x128xf32>
    %broadcast_in_dim3A_402 = arith.constant 1073741824 : i32
    %broadcast_in_dim3A_403 = vector.broadcast %broadcast_in_dim3A_402 : i32 to vector<3x128xi32>
    %concatenate3A_404 = tpu.concatenate %broadcast_in_dim3A_323, %broadcast_in_dim3A_340, %broadcast_in_dim3A_357, %broadcast_in_dim3A_374, %broadcast_in_dim3A_391, %broadcast_in_dim3A_401 in 0 : vector<1x128xf32>, vector<1x128xf32>, vector<1x128xf32>, vector<1x128xf32>, vector<1x128xf32>, vector<3x128xf32> -> vector<8x128xf32>
    %concatenate3A_405 = tpu.concatenate %broadcast_in_dim3A_331, %broadcast_in_dim3A_348, %broadcast_in_dim3A_365, %broadcast_in_dim3A_382, %broadcast_in_dim3A_399, %broadcast_in_dim3A_403 in 0 : vector<1x128xi32>, vector<1x128xi32>, vector<1x128xi32>, vector<1x128xi32>, vector<1x128xi32>, vector<3x128xi32> -> vector<8x128xi32>
    %swap3A_406 = arith.constant 0 : index
    %swap3A_407 = arith.constant 0 : index
    %swap3A_408 = vector.load %arg12[%swap3A_406, %swap3A_407] : memref<8x128xf32, #tpu.memory_space<vmem>>, vector<8x128xf32>
    tpu.vector_store %arg12[%swap3A_406, %swap3A_407], %concatenate3A_404 {strides = array<i32>} : memref<8x128xf32, #tpu.memory_space<vmem>>, vector<8x128xf32>,
    %swap3A_409 = arith.constant 0 : index
    %swap3A_410 = arith.constant 0 : index
    %swap3A_411 = vector.load %arg13[%swap3A_409, %swap3A_410] : memref<8x128xi32, #tpu.memory_space<vmem>>, vector<8x128xi32>
    tpu.vector_store %arg13[%swap3A_409, %swap3A_410], %concatenate3A_405 {strides = array<i32>} : memref<8x128xi32, #tpu.memory_space<vmem>>, vector<8x128xi32>,
    %get3A_412 = arith.constant 0 : index
    %get3A_413 = arith.constant 0 : index
    %get3A_414 = vector.load %arg12[%get3A_412, %get3A_413] : memref<8x128xf32, #tpu.memory_space<vmem>>, vector<8x128xf32>
    %neg3A_415 = arith.constant 0.000000e+00 : f32
    %neg3A_416 = vector.broadcast %neg3A_415 : f32 to vector<8x128xf32>
    %neg3A_417 = arith.subf %neg3A_416, %get3A_414 : vector<8x128xf32>
    %swap3A_418 = arith.constant 0 : index
    %swap3A_419 = arith.constant 0 : index
    %swap3A_420 = arith.constant 0 : index
    %swap3A_421 = vector.load %arg9[%swap3A_418, %swap3A_419, %swap3A_420] : memref<1x8x128xf32, #tpu.memory_space<vmem>>, vector<1x8x128xf32>
    %swap3A_422 = vector.shape_cast %swap3A_421 : vector<1x8x128xf32> to vector<8x128xf32>
    %swap3A_423 = vector.shape_cast %neg3A_417 : vector<8x128xf32> to vector<1x8x128xf32>
    tpu.vector_store %arg9[%swap3A_418, %swap3A_419, %swap3A_420], %swap3A_423 {strides = array<i32>} : memref<1x8x128xf32, #tpu.memory_space<vmem>>, vector<1x8x128xf32>,
    %get3A_424 = arith.constant 0 : index
    %get3A_425 = arith.constant 0 : index
    %get3A_426 = vector.load %arg14[%get3A_424, %get3A_425] : memref<8x128xf32, #tpu.memory_space<vmem>>, vector<8x128xf32>
    %swap3A_427 = arith.constant 0 : index
    %swap3A_428 = arith.constant 0 : index
    %swap3A_429 = arith.constant 0 : index
    %swap3A_430 = vector.load %arg10[%swap3A_427, %swap3A_428, %swap3A_429] : memref<1x8x128xf32, #tpu.memory_space<vmem>>, vector<1x8x128xf32>
    %swap3A_431 = vector.shape_cast %swap3A_430 : vector<1x8x128xf32> to vector<8x128xf32>
    %swap3A_432 = vector.shape_cast %get3A_426 : vector<8x128xf32> to vector<1x8x128xf32>
    tpu.vector_store %arg10[%swap3A_427, %swap3A_428, %swap3A_429], %swap3A_432 {strides = array<i32>} : memref<1x8x128xf32, #tpu.memory_space<vmem>>, vector<1x8x128xf32>,
    %get3A_433 = arith.constant 0 : index
    %get3A_434 = arith.constant 0 : index
    %get3A_435 = vector.load %arg15[%get3A_433, %get3A_434] : memref<8x128xi32, #tpu.memory_space<vmem>>, vector<8x128xi32>
    %swap3A_436 = arith.constant 0 : index
    %swap3A_437 = arith.constant 0 : index
    %swap3A_438 = arith.constant 0 : index
    %swap3A_439 = vector.load %arg11[%swap3A_436, %swap3A_437, %swap3A_438] : memref<1x8x128xi32, #tpu.memory_space<vmem>>, vector<1x8x128xi32>
    %swap3A_440 = vector.shape_cast %swap3A_439 : vector<1x8x128xi32> to vector<8x128xi32>
    %swap3A_441 = vector.shape_cast %get3A_435 : vector<8x128xi32> to vector<1x8x128xi32>
    tpu.vector_store %arg11[%swap3A_436, %swap3A_437, %swap3A_438], %swap3A_441 {strides = array<i32>} : memref<1x8x128xi32, #tpu.memory_space<vmem>>, vector<1x8x128xi32>,
    return
  }
  func.func @transform_0(%arg0: i32, %arg1: i32) -> (i32, i32, i32) {
    %c0_i32 = arith.constant 0 : i32
    %c0_i32_0 = arith.constant 0 : i32
    return %arg0, %arg1, %c0_i32 : i32, i32, i32
  }
  func.func @transform_1(%arg0: i32, %arg1: i32) -> (i32, i32, i32) {
    %c0_i32 = arith.constant 0 : i32
    %c0_i32_0 = arith.constant 0 : i32
    return %arg0, %arg1, %c0_i32 : i32, i32, i32
  }
  func.func @transform_2(%arg0: i32, %arg1: i32) -> (i32, i32, i32) {
    %c0_i32 = arith.constant 0 : i32
    %c0_i32_0 = arith.constant 0 : i32
    return %arg0, %arg1, %c0_i32 : i32, i32, i32
  }
  func.func @transform_3(%arg0: i32, %arg1: i32) -> (i32, i32, i32) {
    %c0_i32 = arith.constant 0 : i32
    %c0_i32_0 = arith.constant 0 : i32
    return %arg0, %arg1, %c0_i32 : i32, i32, i32
  }
  func.func @transform_4(%arg0: i32, %arg1: i32) -> (i32, i32, i32) {
    %c0_i32 = arith.constant 0 : i32
    %c0_i32_0 = arith.constant 0 : i32
    return %arg0, %arg1, %c0_i32 : i32, i32, i32
  }
  func.func @transform_5(%arg0: i32, %arg1: i32) -> (i32, i32, i32) {
    %c0_i32 = arith.constant 0 : i32
    %c0_i32_0 = arith.constant 0 : i32
    %c0_i32_1 = arith.constant 0 : i32
    return %arg0, %c0_i32, %c0_i32_0 : i32, i32, i32
  }
  func.func @transform_6(%arg0: i32, %arg1: i32) -> (i32, i32, i32) {
    %c0_i32 = arith.constant 0 : i32
    %c0_i32_0 = arith.constant 0 : i32
    return %arg0, %arg1, %c0_i32 : i32, i32, i32
  }
  func.func @transform_7(%arg0: i32, %arg1: i32) -> (i32, i32, i32) {
    %c0_i32 = arith.constant 0 : i32
    %c0_i32_0 = arith.constant 0 : i32
    %c0_i32_1 = arith.constant 0 : i32
    return %arg0, %c0_i32, %c0_i32_0 : i32, i32, i32
  }
  func.func @transform_8(%arg0: i32, %arg1: i32) -> (i32, i32, i32) {
    %c0_i32 = arith.constant 0 : i32
    %c0_i32_0 = arith.constant 0 : i32
    %c0_i32_1 = arith.constant 0 : i32
    return %arg0, %c0_i32, %c0_i32_0 : i32, i32, i32
  }
  func.func @transform_9(%arg0: i32, %arg1: i32) -> (i32, i32, i32) {
    %c0_i32 = arith.constant 0 : i32
    %c0_i32_0 = arith.constant 0 : i32
    %c0_i32_1 = arith.constant 0 : i32
    return %arg0, %c0_i32, %c0_i32_0 : i32, i32, i32
  }
}

</mosaic_0001>

<sc_bundles>
// kernel: scatter_offload_async_start.1
scs
__scs_entry_jumppad:
0x0: {  	(pc) =	sbr.rel $0x88, $3  }
0x1: {  	(tag) =	ssettag $0x0;
	lr =	simm.s32 $0x1  }
0x2: {  	[smem:$0x3F9E] =	sst lr;
	_ =	strace $0xD0000000  }
0x3: {  	_ = 	snop  }
0x4: {  	_ = 	snop  }
0x5: {  	_ = 	snop  }
0x6: {  	_ = 	snop  }
0x7: {  	_ = 	snop  }
__scs_overlays_trampoline_lowered:
0x8: {  	[smem:$0x3FAD] =	sst s0  }
0x9: {  	[smem:$0x3FAE] =	sst s1  }
0xa: {  	[smem:$0x3FAF] =	sst s2  }
0xb: {  	[smem:$0x3FB0] =	sst s3  }
0xc: {  	[smem:$0x3FB1] =	sst s4  }
0xd: {  	[smem:$0x3FB2] =	sst s5  }
0xe: {  	[smem:$0x3FB3] =	sst s6  }
0xf: {  	[smem:$0x3FB4] =	sst s7  }
0x10: {  	[smem:$0x3FB5] =	sst s8  }
0x11: {  	[smem:$0x3FB6] =	sst s9;
	s0 =	simm.s32 @!p0 $0x0  }
0x12: {  	s1 =	sld [smem:$0x3F9C];
	s0 =	simm.s32 @p0 $0x1  }
0x13: {  	[smem:$0x3FB7] =	sst s0;
	s0 =	simm.s32 @!p1 $0x0  }
0x14: {  	s2 =	sld [smem:$0x3F9B];
	s0 =	simm.s32 @p1 $0x1  }
0x15: {  	[smem:$0x3FB8] =	sst s0;
	s0 =	simm.s32 @!p2 $0x0  }
0x16: {  	s3 =	sld [smem:$0x3FDB];
	s0 =	simm.s32 @p2 $0x1  }
0x17: {  	s4 =	simm.s32 $0x1BF5;
	[smem:$0x3FBA] =	sst s0  }
0x18: {  	s0 =	sld [smem:$0x3F9D];
	_ =	swait.ge [sflag:s4], $0x0  }
0x19: {  	s7 =	sld [smem:$0x3F9E]  }
0x1a: {  	s8 =	sadd.s32 $0xFFFFE003, lr  }
0x1b: {  	s9 =	sadd.s32 $0xFFFFFEF7, lr;
	s5 =	simm.s32 $0xFFFFFFFF;
	p2 =	slt.u32 s8, $0xFFFFF086  }
0x1c: {  	p1 =	slt.u32 s9, $0xF7A;
	s5 =	simm.s32 @!p2 $0x0  }
0x1d: {  	s5 =	simm.s32 @p1 $0x1;
	p0 =	seq.s32 s7, s2  }
0x1e: {  	s7 =	smul.u32 @!p0 $0xF7A, s2;
	p2 =	seq.s32 @!p0 s5, $0x0  }
0x1f: {  	s9 =	smul.u32 $0xF7A, s1;
	s8 =	simm.s32 @!p0 $0x1BF5;
	p2 =	por !p2, p0  }
0x20: {  	[sflag:s8] =	ssyncset.s32 @!p0 $0xFFFFF086;
	s6 =	sadd.s32 @!p0 s3, s7;
	s7 =	simm.s32 @!p0 $0x108  }
0x21: {  	s3 =	sadd.s32 s3, s9;
	s6 =	sadd.s32 @!p0 $0x88, s6;
	s7 =	simm.s32 @p2 $0x1082  }
0x22: {  	[simem:s7], [sflag:s8] =	dma.local @!p0 [hbm:s6], $0xF7A  }
0x23: {  	s9 =	sor.u32 $0xD0000000, s2;
	s6 =	simm.s32 $0x108;
	_ =	swait.ge @!p0 [sflag:s8], $0x0  }
0x24: {  	s3 =	sadd.s32 $0x88, s3;
	s6 =	simm.s32 @!p1 $0x1082;
	[sflag:s4] =	ssyncset.s32 $0xFFFFF086  }
0x25: {  	[simem:s6], [sflag:s4] =	dma.local [hbm:s3], $0xF7A  }
0x26: {  	[smem:$0x3F9E] =	sst s1;
	(tag) =	ssettag s2;
	_ =	strace s9  }
0x27: {  	s1 =	sld [smem:$0x3FAE]  }
0x28: {  	s2 =	sld [smem:$0x3FAF]  }
0x29: {  	s4 =	sld [smem:$0x3FB1]  }
0x2a: {  	p0 =	seq.s32 s5, $0x0;
	s5 =	sld [smem:$0x3FB2]  }
0x2b: {  	s6 =	sld [smem:$0x3FB3]  }
0x2c: {  	s7 =	sld [smem:$0x3FB4]  }
0x2d: {  	s3 =	simm.s32 $0x108;
	s8 =	sld [smem:$0x3FB5]  }
0x2e: {  	s3 =	simm.s32 @!p0 $0x1082;
	s9 =	sld [smem:$0x3FB6]  }
0x2f: {  	lr =	sadd.s32 s0, s3;
	s0 =	sld [smem:$0x3FAD]  }
0x30: {  	s3 =	sld [smem:$0x3FB0]  }
0x31: {  	[smem:$0x3FB9] =	sst s10  }
0x32: {  	s10 =	sld [smem:$0x3FB7];
	_ =	sdelay $0x3  }
0x33: {  	p0 =	seq.s32 s10, $0x1;
	s10 =	sld [smem:$0x3FB9];
	_ =	sdelay $0x3  }
0x34: {  	[smem:$0x3FB9] =	sst s10  }
0x35: {  	s10 =	sld [smem:$0x3FB8];
	_ =	sdelay $0x3  }
0x36: {  	p1 =	seq.s32 s10, $0x1;
	s10 =	sld [smem:$0x3FB9];
	_ =	sdelay $0x3  }
0x37: {  	[smem:$0x3FB9] =	sst s10  }
0x38: {  	s10 =	sld [smem:$0x3FBA]  }
0x39: {  	_ = 	snop;
	(pc) =	sbr.ind lr, $3  }
0x3a: {  	_ = 	snop  }
0x3b: {  	_ = 	snop  }
0x3c: {  	p2 =	seq.s32 s10, $0x1;
	s10 =	sld [smem:$0x3FB9]  }
0x3d: {  	_ =	shalt  }
0x3e: {  	_ =	shalt  }
0x3f: {  	_ =	shalt  }
0x40: {  	_ =	shalt  }
0x41: {  	_ =	shalt  }
0x42: {  	_ =	shalt  }
0x43: {  	_ =	shalt  }
0x44: {  	_ =	shalt  }
0x45: {  	_ =	shalt  }
0x46: {  	_ =	shalt  }
0x47: {  	_ =	shalt  }
0x48: {  	_ =	shalt  }
0x49: {  	_ =	shalt  }
0x4a: {  	_ =	shalt  }
0x4b: {  	_ =	shalt  }
0x4c: {  	_ =	shalt  }
0x4d: {  	_ =	shalt  }
0x4e: {  	_ =	shalt  }
0x4f: {  	_ =	shalt  }
0x50: {  	_ =	shalt  }
0x51: {  	_ =	shalt  }
0x52: {  	_ =	shalt  }
0x53: {  	_ =	shalt  }
0x54: {  	_ =	shalt  }
0x55: {  	_ =	shalt  }
0x56: {  	_ =	shalt  }
0x57: {  	_ =	shalt  }
0x58: {  	_ =	shalt  }
0x59: {  	_ =	shalt  }
0x5a: {  	_ =	shalt  }
0x5b: {  	_ =	shalt  }
0x5c: {  	_ =	shalt  }
0x5d: {  	_ =	shalt  }
0x5e: {  	_ =	shalt  }
0x5f: {  	_ =	shalt  }
0x60: {  	_ =	shalt  }
0x61: {  	_ =	shalt  }
0x62: {  	_ =	shalt  }
0x63: {  	_ =	shalt  }
0x64: {  	_ =	shalt  }
0x65: {  	_ =	shalt  }
0x66: {  	_ =	shalt  }
0x67: {  	_ =	shalt  }
0x68: {  	_ =	shalt  }
0x69: {  	_ =	shalt  }
0x6a: {  	_ =	shalt  }
0x6b: {  	_ =	shalt  }
0x6c: {  	_ =	shalt  }
0x6d: {  	_ =	shalt  }
0x6e: {  	_ =	shalt  }
0x6f: {  	_ =	shalt  }
0x70: {  	_ =	shalt  }
0x71: {  	_ =	shalt  }
0x72: {  	_ =	shalt  }
0x73: {  	_ =	shalt  }
0x74: {  	_ =	shalt  }
0x75: {  	_ =	shalt  }
0x76: {  	_ =	shalt  }
0x77: {  	_ =	shalt  }
0x78: {  	_ =	shalt  }
0x79: {  	_ =	shalt  }
0x7a: {  	_ =	shalt  }
0x7b: {  	_ =	shalt  }
0x7c: {  	_ =	shalt  }
0x7d: {  	_ =	shalt  }
0x7e: {  	_ =	shalt  }
0x7f: {  	_ =	shalt  }
0x80: {  	_ =	shalt  }
0x81: {  	_ =	shalt  }
0x82: {  	_ =	shalt  }
0x83: {  	_ =	shalt  }
0x84: {  	_ =	shalt  }
0x85: {  	_ =	shalt  }
0x86: {  	_ =	shalt  }
0x87: {  	_ =	shalt  }
.Lfunc_end0:
.L_simem_size_0:
called_computation.1_lowered:
.L_overlay_start_0:
0x88: {  	s0 =	sld [smem:$0x3FD9]  }
0x89: {  	s1 =	sld [smem:$0x3FFE];
	_ =	sdelay $0x3  }
0x8a: {  	s0 =	sadd.s32 s1, s0  }
0x8b: {  	[smem:$0x3FC5] =	sst s0  }
0x8c: {  	_ = 	snop  }
0x8d: {  	s0 =	sld [smem:$0x3FD0];
	_ =	sdelay $0x2  }
0x8e: {  	s13 =	simm.s32 $0xA;
	s2 =	simm.s32 $0x10  }
0x8f: {  	[smem:s2], [sflag:s13] =	dma.local [hbm:s0], $0x1  }
0x90: {  	_ =	swait.eq [sflag:s13], $0x1  }
0x91: {  	[sflag:s13] =	ssyncset.done $0x0  }
0x92: {  	s14 =	sld [smem:$0x10];
	[sflag:s13] =	ssyncadd.s32 $0xFFFFFFFF  }
0x93: {  	s15 =	sld [smem:$0x11];
	(tm) =	ssettm $0x1  }
0x94: {  	s16 =	sld [smem:$0x3FFB];
	_ =	sdelay $0x3  }
0x95: {  	_ =	strace s16  }
0x96: {  	s2 =	sld [smem:$0x3FFC];
	_ =	sdelay $0x3  }
0x97: {  	_ =	strace s2  }
0x98: {  	s2 =	sld [smem:$0x3FFD];
	_ =	sdelay $0x3  }
0x99: {  	_ =	strace s2  }
0x9a: {  	_ =	strace $0x8FFFFFFF  }
0x9b: {  	s17 =	sld [smem:$0x3FDB];
	_ =	sdelay $0x1  }
0x9c: {  	s3 =	simm.s32 $_scs_section_size  }
0x9d: {  	s4 =	simm.s32 $_size__tile_overlayer_lowered;
	s5 =	simm.s32 $_tile_overlayer_lowered  }
0x9e: {  	s20 =	simm.s32 $0x1BFF;
	s19 =	sshll.u32 s5, $0x1;
	s2 =	sadd.s32 s3, s17  }
0x9f: {  	s6 =	simm.s32 $0x0;
	s18 =	sshll.u32 s4, $0x1;
	s4 =	sadd.s32 s19, s2  }
0xa0: {  	[timem:s6], [sflag:s20] =	dma.local [hbm:s4], s18  }
0xa1: {  	_ =	swait.ge [sflag:s20], s18  }
0xa2: {  	s3 =	ssub.s32 $0x0, s18;
	[sflag:s20] =	ssyncset.done $0x0  }
0xa3: {  	[sflag:s20] =	ssyncadd.s32 s3;
	_ =	sdelay $0x1  }
0xa4: {  	s21 =	simm.s32 $0x1B8B  }
0xa5: {  	_ =	swait.ge [sflag:s21], $0x1  }
0xa6: {  	[sflag:s21] =	ssyncset.done $0x0  }
0xa7: {  	s23 =	simm.s32 $0x1B8E;
	s22 =	sld [smem:$0x3FFE];
	[sflag:s21] =	ssyncadd.s32 $0xFFFFFFFF  }
0xa8: {  	s24 =	simm.s32 $execute0_lowered;
	[smem:$0x3FD2] =	sst s23  }
0xa9: {  	s4 =	sshll.u32 s24, $0x1;
	_ =	strace $0x80000046;
	[dreg:$0x1] =	wrdreg $0xFFFFFFFF  }
0xaa: {  	s25 =	simm.s32 $_size_execute0_lowered;
	s2 =	sadd.s32 s2, s4;
	[dreg:$0x0] =	wrdreg $0x0  }
0xab: {  	s4 =	sshll.u32 s25, $0x1;
	[dreg:$0x2] =	wrdreg s2  }
0xac: {  	[dreg:$0x3] =	wrdreg s4  }
0xad: {  	[dreg:$0x4] =	wrdreg $0xC0  }
0xae: {  	_ =	task [dreg:s6], $0x5FFFF  }
0xaf: {  	[dreg:$0x1] =	wrdreg $0xFFFFFFFF  }
0xb0: {  	[dreg:$0x0] =	wrdreg $0x60  }
0xb1: {  	[dreg:$0x2] =	wrdreg s22  }
0xb2: {  	[dreg:$0x3] =	wrdreg s14  }
0xb3: {  	[dreg:$0x4] =	wrdreg s15  }
0xb4: {  	[dreg:$0x5] =	wrdreg $0x9  }
0xb5: {  	_ =	task.clear_ibuf [dreg:s6], $0x6FFFF;
	_ =	strace $0x90000046  }
0xb6: {  	s26 =	simm.s32 $0x9;
	_ =	strace $0x80000048  }
0xb7: {  	_ =	swait.ge [sflag:s26], $0x1  }
0xb8: {  	[sflag:s26] =	ssyncadd.s32 $0xFFFFFFFF  }
0xb9: {  	_ =	strace $0x90000048  }
0xba: {  	_ =	sfence  }
0xbb: {  	s28 =	sld [smem:$0x0];
	_ =	sdelay $0x1  }
0xbc: {  	s29 =	srdreg.scid  }
0xbd: {  	s30 =	sshll.u32 s29, $0xD;
	s31 =	sshrl.u32 s29, $0x2  }
0xbe: {  	s1 =	sand.u32 $0x1, s29;
	s2 =	sand.u32 $0x4000, s30;
	s0 =	sadd.s32 s31, s28  }
0xbf: {  	s1 =	sor.u32 s2, s1;
	s0 =	sshll.u32 s0, $0x11  }
0xc0: {  	s0 =	sor.u32 s0, s1  }
0xc1: {  	s0 =	sadd.s32 $0x8F2B, s0  }
0xc2: {  	[sflag:s0] =	ssyncadd.remote.s32 $0x1  }
0xc3: {  	_ =	sfence.sel $0xFFFF  }
0xc4: {  	[dreg:$0x0] =	wrdreg $0xFFFFFFFF;
	(pc) =	sbr.abs _section_cstart, $3  }
0xc5: {  	[dreg:$0x1] =	wrdreg $0xFFFFFFFF  }
0xc6: {  	_ =	task.clear_ibuf [dreg:s6], $0x2FFFF;
	_ =	strace $0x9FFFFFFF  }
0xc7: {  	(tm) =	ssettm $0x7FFFFFFF  }
tec
execute0_lowered:
.L_overlay_start_1:
0x0: {  	(tag) =	ssettag $0x1  }
0x1: {  	s1 =	rddreg [dreg:$0x0];
	_ =	strace $0x80000047;
	s5 =	simm.s32 $0x1  }
0x2: {  	v1 =	vimm.s32 $0xFFFFFFFF;
	[sflag:s5] =	ssyncpa.u1 $0x0  }
0x3: {  	[tilespmem:$0x10] =	vst v1  }
0x4: {  	v0 =	vimm.s32 $0x80000000;
	[tilespmem:$0x20] =	vst v1  }
0x5: {  	s2 =	stileid.u32;
	s0 =	simm.s32 $0x2;
	[tilespmem:$0x30] =	vst v0  }
0x6: {  	s7 =	simm.s32 $0x7;
	s9 =	simm.s32 $0x8;
	s28 =	simm.s32 $0x9;
	[tilespmem:$0x40] =	vst v0  }
0x7: {  	s14 =	simm.s32 $0x0;
	s15 =	simm.s32 $0x100;
	s25 =	simm.s32 $0x290;
	[tilespmem:$0x50] =	vst v0  }
0x8: {  	s29 =	simm.s32 $0x3D0;
	s30 =	simm.s32 $0xF;
	s31 =	simm.s32 $0x50;
	[tilespmem:$0x60] =	vst v1  }
0x9: {  	s3 =	simm.s32 $0x330;
	s4 =	simm.s32 $0x340;
	s16 =	simm.s32 $0x350;
	[tilespmem:$0x70] =	vst v1  }
0xa: {  	s17 =	simm.s32 $0x360;
	s18 =	simm.s32 $0x370;
	s19 =	simm.s32 $0x30;
	[tilespmem:$0x80] =	vst v1  }
0xb: {  	s20 =	simm.s32 $0x37F;
	s21 =	simm.s32 $0x80;
	s22 =	smul.u32 $0x50, s2;
	v1 =	vimm.s32 $0x0;
	[tilespmem:$0xB0] =	vst v0  }
.Ltmp0:
0xc: {  	s24 =	simm.s32 $0x0;
	s23 =	simm.s32 $0x0;
	[tilespmem:$0x90] =	vst v1;
	(pc) =	sbr.rel .LBB2_1-.Ltmp0, $4  }
0xd: {  	s10 =	sshll.u32 s2, $0x1;
	s12 =	sshllo.u32 s2, $0x1;
	[tilespmem:$0xA0] =	vst v1;
	[sflag:s0] =	ssyncpa.u1 $0x0  }
0xe: {  	s2 =	simm.s32 $0x20;
	s11 =	sor.u32 $0x81, s10;
	[sflag:s7] =	ssyncpa.u1 $0x0  }
0xf: {  	vm0 =	vmmov $0xffff;
	v2 =	vlaneseq.u32;
	s13 =	sor.u32 $0x80, s10;
	s8 =	sadd.s32 $0x50, s22;
	[sflag:s9] =	ssyncpa.u1 $0x0  }
0x10: {  	vm1 =	vmxor vm1, vm1;
	vm2 =	vmmov $0x1;
	vm3 =	vcmask $0x3F3C;
	s0 =	simm.s32 $0x23F;
	s6 =	smov.u32 s22;
	[sflag:s28] =	ssyncpa.u1 $0x0  }
.LBB2_7:
0x11: {  	_ =	swait.ge [sflag:s7], $0x50  }
0x12: {  	[sflag:s7] =	ssyncset.done $0x0  }
0x13: {  	[sflag:s7] =	ssyncadd.s32 $0xFFFFFFB0;
	(ifvalue) =	ssetifvalue $0xFFFFFFFF;
	v3 =	vld.msk [tilespmem:s15+$0x0 ss:$0x1], $0xffff;
	_ =	sdelay $0x4  }
0x14: {  	v4 =	vperm.xlane v3, v1  }
0x15: {  	vm4 =	vlt.u32 v3, $0xA000  }
0x16: {  	v3 =	vnsel vm4, $0xFFFFFFFE, v3;
	vm4 =	vlt.u32 v4, $0xA000  }
0x17: {  	[tilespmem:$0x70] =	vst v3;
	v3 =	vnsel vm4, $0xFFFFFFFE, v4  }
0x18: {  	s26 =	simm.s32 $0x140;
	[tilespmem:$0x80] =	vst v3  }
0x19: {  	v3 =	vld.msk [tilespmem:s26+$0x0 ss:$0x1], $0xffff;
	_ =	sdelay $0x4  }
0x1a: {  	(xrf1) =	vunique.msk.u32 $0xffff, v3;
	_ =	sdelay $0xd  }
0x1b: {  	v58, _, _ =	vpop (xrf1)  }
0x1c: {  	vm4 =	vlt.u32 v3, $0xA000;
	vm5 =	veq.s32 v58, v2  }
0x1d: {  	vm5 =	vmand vm4, vm5  }
0x1e: {  	v59 =	vnsel vm5, $0xFFFFFFFF, v3;
	_ =	sdelay $0x3  }
0x1f: {  	s28 =	simm.s32 $0x230;
	(ifvalue) =	ssetifvalue $0xFFFFFFFF  }
0x20: {  	v4 =	vnsel vm4, $0xFFFFFFFE, v59;
	[tilespmem:s28], [sflag:$0x8] =	stream.indirect_vreg.gather [hbm4b:s1+s14], $0x1, v59, vm0, $0x4038;
	[tilespmem:$0x3F0] =	vst v63  }
0x21: {  	s28 =	simm.s32 $0x130;
	[tilespmem:$0x140] =	vst v4  }
0x22: {  	v4 =	vld.msk [tilespmem:s28+$0x0 ss:$0x1], $0xffff;
	_ =	sdelay $0x4  }
0x23: {  	(xrf1) =	vunique.msk.u32 $0xffff, v4;
	_ =	sdelay $0xc  }
0x24: {  	v3 =	vperm.xlane v3, v1  }
0x25: {  	v5, _, _ =	vpop (xrf1)  }
0x26: {  	vm5 =	vne.s32 v4, v3;
	vm4 =	veq.s32 v5, v2  }
0x27: {  	vm6 =	vlt.u32 v4, $0xA000;
	vm4 =	vmand vm5, vm4  }
0x28: {  	vm4 =	vmand vm6, vm4  }
0x29: {  	v3 =	vnsel vm4, $0xFFFFFFFF, v4;
	_ =	sdelay $0x3  }
0x2a: {  	s28 =	simm.s32 $0x220;
	(ifvalue) =	ssetifvalue $0xFFFFFFFF  }
0x2b: {  	[tilespmem:s28], [sflag:$0x8] =	stream.indirect_vreg.gather [hbm4b:s1+s14], $0x1, v3, vm0, $0x4038;
	v3 =	vnsel vm6, $0xFFFFFFFE, v3;
	[tilespmem:$0x3F0] =	vst v63  }
0x2c: {  	s28 =	simm.s32 $0x120;
	[tilespmem:$0x130] =	vst v3  }
0x2d: {  	v3 =	vld.msk [tilespmem:s28+$0x0 ss:$0x1], $0xffff;
	_ =	sdelay $0x4  }
0x2e: {  	(xrf1) =	vunique.msk.u32 $0xffff, v3;
	_ =	sdelay $0xc  }
0x2f: {  	v4 =	vperm.xlane v4, v1  }
0x30: {  	v60, _, _ =	vpop (xrf1)  }
0x31: {  	vm5 =	vne.s32 v3, v4;
	vm4 =	veq.s32 v60, v2  }
0x32: {  	vm13 =	vlt.u32 v3, $0xA000;
	vm4 =	vmand vm5, vm4  }
0x33: {  	vm4 =	vmand vm13, vm4  }
0x34: {  	v61 =	vnsel vm4, $0xFFFFFFFF, v3;
	_ =	sdelay $0x3  }
0x35: {  	s28 =	simm.s32 $0x210;
	(ifvalue) =	ssetifvalue $0xFFFFFFFF  }
0x36: {  	v4 =	vnsel vm13, $0xFFFFFFFE, v61;
	[tilespmem:s28], [sflag:$0x8] =	stream.indirect_vreg.gather [hbm4b:s1+s14], $0x1, v61, vm0, $0x4038;
	[tilespmem:$0x3F0] =	vst v63  }
0x37: {  	s28 =	simm.s32 $0x110;
	[tilespmem:$0x120] =	vst v4  }
0x38: {  	v4 =	vld.msk [tilespmem:s28+$0x0 ss:$0x1], $0xffff;
	_ =	sdelay $0x4  }
0x39: {  	(xrf1) =	vunique.msk.u32 $0xffff, v4;
	_ =	sdelay $0xc  }
0x3a: {  	v3 =	vperm.xlane v3, v1  }
0x3b: {  	v62, _, _ =	vpop (xrf1)  }
0x3c: {  	vm5 =	vne.s32 v4, v3;
	vm4 =	veq.s32 v62, v2  }
0x3d: {  	vm14 =	vlt.u32 v4, $0xA000;
	vm4 =	vmand vm5, vm4  }
0x3e: {  	vm4 =	vmand vm14, vm4  }
0x3f: {  	v3 =	vnsel vm4, $0xFFFFFFFF, v4;
	_ =	sdelay $0x3  }
0x40: {  	s28 =	simm.s32 $0x200;
	(ifvalue) =	ssetifvalue $0xFFFFFFFF  }
0x41: {  	[tilespmem:s28], [sflag:$0x8] =	stream.indirect_vreg.gather [hbm4b:s1+s14], $0x1, v3, vm0, $0x4038;
	v3 =	vnsel vm14, $0xFFFFFFFE, v3;
	[tilespmem:$0x3F0] =	vst v63  }
0x42: {  	[tilespmem:$0x110] =	vst v3  }
0x43: {  	v3 =	vld.msk [tilespmem:s15+$0x0 ss:$0x1], $0xffff;
	_ =	sdelay $0x4  }
0x44: {  	(xrf1) =	vunique.msk.u32 $0xffff, v3;
	_ =	sdelay $0xc  }
0x45: {  	v4 =	vperm.xlane v4, v1  }
0x46: {  	v63, _, _ =	vpop (xrf1)  }
0x47: {  	vm5 =	vne.s32 v3, v4;
	vm4 =	veq.s32 v63, v2  }
0x48: {  	vm15 =	vlt.u32 v3, $0xA000;
	vm4 =	vmand vm5, vm4  }
0x49: {  	vm4 =	vmand vm15, vm4  }
0x4a: {  	v3 =	vnsel vm4, $0xFFFFFFFF, v3;
	_ =	sdelay $0x3  }
0x4b: {  	s28 =	simm.s32 $0x1F0;
	(ifvalue) =	ssetifvalue $0xFFFFFFFF  }
0x4c: {  	[tilespmem:s28], [sflag:$0x8] =	stream.indirect_vreg.gather [hbm4b:s1+s14], $0x1, v3, vm0, $0x4038;
	[tilespmem:$0x3F0] =	vst v63  }
0x4d: {  	s24 =	sshrl.u32 s24, $0x3;
	v3 =	vnsel vm15, $0xFFFFFFFE, v3;
	s28 =	rddreg [dreg:$0x2]  }
0x4e: {  	[tilespmem:$0x100] =	vst v3;
	s24 =	sadd.s32 s28, s24  }
0x4f: {  	[tilespmem:s25], [sflag:$0x8] =	stream.linear.gather [hbm:s24], $0x50, $0x38;
	[tilespmem:$0x3F0] =	vst v63  }
.LBB2_8:
0x50: {  	s24 =	sadd.s32 $0x50, s6  }
0x51: {  	s26 =	smov.u32 s22;
	s23 =	sadd.s32 $0x1, s23;
	p0 =	slt.s32 s24, s8  }
0x52: {  	s26 =	smov.u32 @p0 s24;
	p0 =	sne.s32 s23, $0x4  }
.Ltmp1:
0x53: {  	_ = 	snop;
	(pc) =	sbr.rel @!p0 .LBB2_9-.Ltmp1, $2  }
0x54: {  	_ =	sdelay $0x2  }
0x55: {  	s24 =	smov.u32 s6;
	s6 =	smov.u32 s26  }
.LBB2_1:
0x56: {  	p0 =	sgt.s32 s23, $0x1  }
.Ltmp2:
0x57: {  	_ = 	snop;
	(pc) =	sbr.rel @p0 .LBB2_5-.Ltmp2, $1  }
0x58: {  	_ =	sdelay $0x3  }
0x59: {  	p0 =	seq.s32 s23, $0x0  }
.Ltmp3:
0x5a: {  	_ = 	snop;
	(pc) =	sbr.rel @!p0 .LBB2_7-.Ltmp3, $1  }
0x5b: {  	_ =	sdelay $0x3  }
.Ltmp4:
0x5c: {  	(pc) =	sbr.rel .LBB2_8-.Ltmp4, $4  }
0x5d: {  	_ = 	snop  }
0x5e: {  	s24 =	sshrl.u32 s6, $0x3;
	s26 =	rddreg [dreg:$0x1]  }
0x5f: {  	s28 =	sand.u32 $0x7, s6;
	s24 =	sadd.s32 s26, s24  }
0x60: {  	[tilespmem:s15], [sflag:$0x7] =	stream.linear.gather [hbm4b:s24+s28], $0x50, $0x38;
	[tilespmem:$0x3F0] =	vst v63  }
.LBB2_5:
0x61: {  	p0 =	seq.s32 s23, $0x2  }
.Ltmp5:
0x62: {  	_ = 	snop;
	(pc) =	sbr.rel @!p0 .LBB2_6-.Ltmp5, $1  }
0x63: {  	_ =	sdelay $0x3  }
0x64: {  	_ =	swait.ge [sflag:s9], $0xA0  }
0x65: {  	[sflag:s9] =	ssyncset.done $0x0  }
0x66: {  	s24 =	simm.s32 $0x14F;
	[sflag:s9] =	ssyncadd.s32 $0xFFFFFF60  }
0x67: {  	[spmem:s11] =	stream.linear.scatter [tilespmem:s24], [sflag:$0x1], $0x1, $0x38;
	[tilespmem:$0x3F0] =	vst v63  }
0x68: {  	_ =	swait.ge [sflag:s5], $0x1  }
0x69: {  	[sflag:s5] =	ssyncset.done $0x0  }
0x6a: {  	[sflag:s5] =	ssyncadd.s32 $0xFFFFFFFF  }
0x6b: {  	v3 =	vld [tilespmem:$0x10]  }
0x6c: {  	v5 =	vld [tilespmem:$0x70]  }
0x6d: {  	v4 =	vld [tilespmem:$0x80];
	_ =	sdelay $0x2  }
0x6e: {  	(v2sf) =	vpush v3, $0x0  }
0x6f: {  	(v2sf) =	vpush v5, $0x0  }
0x70: {  	(v2sf) =	vpush v4, $0x0;
	_ =	sdelay $0xc  }
0x71: {  	s26 =	spop (v2sf)  }
0x72: {  	s28 =	spop (v2sf)  }
0x73: {  	s24 =	spop (v2sf)  }
0x74: {  	p0 =	seq.s32 s26, s28;
	p1 =	seq.s32 s24, s26  }
0x75: {  	p1 =	por p0, p1  }
0x76: {  	s28 =	simm.s32 $0x10;
	v3 =	vpsel p1, $0xFFFFFFFF, v3  }
0x77: {  	[tilespmem:s28+$0x0] =	vst.msk $0x1, v3  }
0x78: {  	v3 =	vld [tilespmem:$0x30]  }
0x79: {  	v41 =	vld [tilespmem:$0x290]  }
0x7a: {  	v6 =	vld [tilespmem:$0x40];
	_ =	sdelay $0x3  }
0x7b: {  	vm4 =	vmmov vm1;
	vm6 =	vmmov vm2;
	vm5 =	vgt.s32 v3, v41  }
0x7c: {  	vm4 =	vmmov @p0 vm2;
	v5 =	vsel vm5, v3, v41;
	vm5 =	vgt.s32 v3, v6  }
0x7d: {  	vm6 =	vmmov @p1 vm1;
	v3 =	vsel vm5, v3, v6;
	[tilespmem:s25+$0x0] =	vst.msk vm4, v5  }
0x7e: {  	[tilespmem:s29+$0x0] =	vst.msk vm6, v3  }
0x7f: {  	v3 =	vld [tilespmem:$0x230];
	_ =	sdelay $0x4  }
0x80: {  	v3 =	vshift.insert v3, v1, s30;
	_ =	sdelay $0x1  }
0x81: {  	[tilespmem:s31+$0x0] =	vst.msk $0x1, v3  }
0x82: {  	[tilespmem:s0+$0x0] =	vst.msk $0x1, v0  }
0x83: {  	v3 =	vld [tilespmem:$0x140];
	_ =	sdelay $0x4  }
0x84: {  	v3 =	vshift.insert v3, v1, s30;
	_ =	sdelay $0x1  }
0x85: {  	[tilespmem:s2+$0x0] =	vst.msk $0x1, v3  }
0x86: {  	v5 =	vld [tilespmem:$0x100]  }
0x87: {  	v42 =	vld [tilespmem:$0x290];
	_ =	sdelay $0x4  }
0x88: {  	vm5 =	vne.s32 v5, $0xFFFFFFFF;
	v6 =	vxor.u32 $0x80000000, v42  }
0x89: {  	(xrf0) =	vmax.seg.scan.u32 vm5, v6;
	_ =	sdelay $0x1  }
0x8a: {  	v43 =	vperm.xlane v3, v1  }
0x8b: {  	v7 =	vld [tilespmem:$0x1F0]  }
0x8c: {  	vm4 =	veq.s32 v5, v4;
	vm13 =	veq.s32 v5, v43  }
0x8d: {  	vm7 =	vgt.u32 v5, $0xFFFFFFFD;
	vm6 =	vmor vm13, vm4  }
0x8e: {  	vm6 =	vmor vm6, vm7;
	v8, _, _ =	vpop (xrf0)  }
0x8f: {  	v5 =	vsel vm6, $0xFFFFFFFF, v5;
	v8 =	vxor.u32 $0x80000000, v8  }
0x90: {  	vm14 =	vgt.s32 v8, v7  }
0x91: {  	v7 =	vsel vm14, v8, v7  }
0x92: {  	v9 =	vld [tilespmem:$0xA0];
	v7 =	vsel vm4, v8, v7  }
0x93: {  	v10 =	vld [tilespmem:$0x90];
	[tilespmem:$0x330] =	vst v7;
	(ifvalue) =	ssetifvalue $0xFFFFFFFF  }
0x94: {  	[hbm4b:s1+s14] =	stream.indirect_vreg.scatter [tilespmem:s3], [sflag:$0x2], $0x1, v5, vm0, $0x4038;
	[tilespmem:$0x3F0] =	vst v63  }
0x95: {  	v5 =	vld [tilespmem:$0x2A0]  }
0x96: {  	vm5 =	vmand vm5, vm3  }
0x97: {  	v44 =	vsel vm5, $0x80000000, v8;
	v11 =	vld [tilespmem:$0x110]  }
0x98: {  	v7 =	vshift.insert v44, v0, s30;
	_ =	sdelay $0x1  }
0x99: {  	vm5 =	vgt.s32 v5, v7  }
0x9a: {  	v5 =	vsel vm5, v5, v7  }
0x9b: {  	vm15 =	vne.s32 v11, $0xFFFFFFFF;
	v5 =	vxor.u32 $0x80000000, v5  }
0x9c: {  	(xrf0) =	vmax.seg.scan.u32 vm15, v5;
	_ =	sdelay $0x2  }
0x9d: {  	v45 =	vld [tilespmem:$0x200]  }
0x9e: {  	vm12 =	veq.s32 v11, v43;
	vm5 =	veq.s32 v11, v4  }
0x9f: {  	vm8 =	vgt.u32 v11, $0xFFFFFFFD;
	vm7 =	vmor vm12, vm5  }
0xa0: {  	vm7 =	vmor vm7, vm8;
	v46, _, _ =	vpop (xrf0)  }
0xa1: {  	v11 =	vsel vm7, $0xFFFFFFFF, v11;
	v7 =	vxor.u32 $0x80000000, v46  }
0xa2: {  	vm13 =	vgt.s32 v7, v45  }
0xa3: {  	v5 =	vsel vm13, v7, v45  }
0xa4: {  	v5 =	vsel vm5, v7, v5  }
0xa5: {  	[tilespmem:$0x340] =	vst v5;
	(ifvalue) =	ssetifvalue $0xFFFFFFFF  }
0xa6: {  	[hbm4b:s1+s14] =	stream.indirect_vreg.scatter [tilespmem:s4], [sflag:$0x2], $0x1, v11, vm0, $0x4038;
	[tilespmem:$0x3F0] =	vst v63  }
0xa7: {  	v47 =	vld [tilespmem:$0x2B0]  }
0xa8: {  	vm6 =	vmand vm15, vm3  }
0xa9: {  	v48 =	vsel vm6, $0x80000000, v7;
	v12 =	vld [tilespmem:$0x120]  }
0xaa: {  	v11 =	vshift.insert v48, v0, s30;
	_ =	sdelay $0x1  }
0xab: {  	vm14 =	vgt.s32 v47, v11  }
0xac: {  	v5 =	vsel vm14, v47, v11  }
0xad: {  	vm15 =	vne.s32 v12, $0xFFFFFFFF;
	v5 =	vxor.u32 $0x80000000, v5  }
0xae: {  	(xrf0) =	vmax.seg.scan.u32 vm15, v5;
	_ =	sdelay $0x2  }
0xaf: {  	v49 =	vld [tilespmem:$0x210]  }
0xb0: {  	vm6 =	veq.s32 v12, v4;
	vm12 =	veq.s32 v12, v43  }
0xb1: {  	vm9 =	vgt.u32 v12, $0xFFFFFFFD;
	vm8 =	vmor vm12, vm6  }
0xb2: {  	vm8 =	vmor vm8, vm9;
	v50, _, _ =	vpop (xrf0)  }
0xb3: {  	v12 =	vsel vm8, $0xFFFFFFFF, v12;
	v11 =	vxor.u32 $0x80000000, v50  }
0xb4: {  	vm13 =	vgt.s32 v11, v49  }
0xb5: {  	v5 =	vsel vm13, v11, v49  }
0xb6: {  	v5 =	vsel vm6, v11, v5  }
0xb7: {  	[tilespmem:$0x350] =	vst v5;
	(ifvalue) =	ssetifvalue $0xFFFFFFFF  }
0xb8: {  	[hbm4b:s1+s14] =	stream.indirect_vreg.scatter [tilespmem:s16], [sflag:$0x2], $0x1, v12, vm0, $0x4038;
	[tilespmem:$0x3F0] =	vst v63  }
0xb9: {  	v51 =	vld [tilespmem:$0x2C0]  }
0xba: {  	vm7 =	vmand vm15, vm3  }
0xbb: {  	v52 =	vsel vm7, $0x80000000, v11;
	v13 =	vld [tilespmem:$0x130]  }
0xbc: {  	v12 =	vshift.insert v52, v0, s30;
	_ =	sdelay $0x1  }
0xbd: {  	vm14 =	vgt.s32 v51, v12  }
0xbe: {  	v5 =	vsel vm14, v51, v12  }
0xbf: {  	vm15 =	vne.s32 v13, $0xFFFFFFFF;
	v5 =	vxor.u32 $0x80000000, v5  }
0xc0: {  	(xrf0) =	vmax.seg.scan.u32 vm15, v5;
	_ =	sdelay $0x2  }
0xc1: {  	v53 =	vld [tilespmem:$0x220]  }
0xc2: {  	vm7 =	veq.s32 v13, v4;
	vm12 =	veq.s32 v13, v43  }
0xc3: {  	vm10 =	vgt.u32 v13, $0xFFFFFFFD;
	vm9 =	vmor vm12, vm7  }
0xc4: {  	vm9 =	vmor vm9, vm10;
	v54, _, _ =	vpop (xrf0)  }
0xc5: {  	v13 =	vsel vm9, $0xFFFFFFFF, v13;
	v12 =	vxor.u32 $0x80000000, v54  }
0xc6: {  	vm13 =	vgt.s32 v12, v53  }
0xc7: {  	v5 =	vsel vm13, v12, v53  }
0xc8: {  	v5 =	vsel vm7, v12, v5  }
0xc9: {  	[tilespmem:$0x360] =	vst v5;
	(ifvalue) =	ssetifvalue $0xFFFFFFFF  }
0xca: {  	[hbm4b:s1+s14] =	stream.indirect_vreg.scatter [tilespmem:s17], [sflag:$0x2], $0x1, v13, vm0, $0x4038;
	[tilespmem:$0x3F0] =	vst v63  }
0xcb: {  	v55 =	vld [tilespmem:$0x2D0]  }
0xcc: {  	vm8 =	vmand vm15, vm3  }
0xcd: {  	v56 =	vsel vm8, $0x80000000, v12;
	v14 =	vld [tilespmem:$0x140]  }
0xce: {  	v13 =	vshift.insert v56, v0, s30;
	_ =	sdelay $0x1  }
0xcf: {  	vm14 =	vgt.s32 v55, v13  }
0xd0: {  	v5 =	vsel vm14, v55, v13  }
0xd1: {  	vm15 =	vne.s32 v14, $0xFFFFFFFF;
	v5 =	vxor.u32 $0x80000000, v5  }
0xd2: {  	(xrf0) =	vmax.seg.scan.u32 vm15, v5;
	_ =	sdelay $0x2  }
0xd3: {  	v57 =	vld [tilespmem:$0x230]  }
0xd4: {  	vm8 =	veq.s32 v14, v4;
	vm12 =	veq.s32 v14, v43  }
0xd5: {  	vm13 =	vgt.u32 v14, $0xFFFFFFFD;
	vm9 =	vmor vm12, vm8  }
0xd6: {  	vm9 =	vmor vm9, vm13;
	v58, _, _ =	vpop (xrf0)  }
0xd7: {  	v59 =	vsel vm9, $0xFFFFFFFF, v14;
	v4 =	vxor.u32 $0x80000000, v58  }
0xd8: {  	vm14 =	vgt.s32 v4, v57  }
0xd9: {  	v5 =	vsel vm14, v4, v57  }
0xda: {  	v5 =	vsel vm8, v4, v5  }
0xdb: {  	[tilespmem:$0x370] =	vst v5;
	(ifvalue) =	ssetifvalue $0xFFFFFFFF  }
0xdc: {  	[hbm4b:s1+s14] =	stream.indirect_vreg.scatter [tilespmem:s18], [sflag:$0x2], $0x1, v59, vm0, $0x4038;
	[tilespmem:$0x3F0] =	vst v63  }
0xdd: {  	v60 =	vld [tilespmem:$0x370];
	_ =	sdelay $0x1  }
0xde: {  	vm15 =	veq.s32 v9, $0x1  }
0xdf: {  	v61 =	vsel vm4, v8, v10;
	vm9 =	vmor vm15, vm4  }
0xe0: {  	v6 =	vsel vm5, v7, v61;
	vm4 =	vmor vm9, vm5  }
0xe1: {  	v6 =	vsel vm6, v11, v6;
	vm4 =	vmor vm4, vm6;
	v5 =	vshift.insert v60, v1, s30  }
0xe2: {  	v6 =	vsel vm7, v12, v6;
	vm4 =	vmor vm4, vm7  }
0xe3: {  	vm4 =	vmor vm4, vm8;
	v4 =	vsel vm8, v4, v6;
	[tilespmem:s19+$0x0] =	vst.msk $0x1, v5  }
0xe4: {  	v62 =	vsel vm4, $0x1, v1;
	[tilespmem:$0x90] =	vst v4  }
0xe5: {  	[tilespmem:$0xA0] =	vst v62  }
0xe6: {  	[spmem:s12] =	stream.linear.scatter [tilespmem:s20], [sflag:$0x1], $0x1, $0x38;
	[tilespmem:$0x3F0] =	vst v63  }
0xe7: {  	v63 =	vmctz.xlane vm4;
	_ =	swait.ge [sflag:s5], $0x1  }
0xe8: {  	(v2sf) =	vpush v3, $0x0  }
0xe9: {  	(v2sf) =	vpush v63, $0x0;
	_ =	sdelay $0xd  }
0xea: {  	s26 =	spop (v2sf)  }
0xeb: {  	s28 =	spop (v2sf)  }
0xec: {  	[sflag:s5] =	ssyncset.done $0x0;
	p0 =	sne.s32 s24, s26;
	p1 =	slt.s32 s28, $0xF  }
0xed: {  	[sflag:s5] =	ssyncadd.s32 $0xFFFFFFFF;
	v3 =	vimm.s32 @!p0 $0xFFFFFFFF;
	s28 =	simm.s32 @!p1 $0xF  }
0xee: {  	[tilespmem:$0x80] =	vst @!p0 v3;
	s28 =	sadd.s32 $0x90, s28  }
0xef: {  	[spmem:s10] =	stream.linear.scatter [tilespmem:s28], [sflag:$0x1], $0x1, $0x38;
	[tilespmem:$0x3F0] =	vst v63  }
0xf0: {  	_ =	swait.ge [sflag:s5], $0x1  }
0xf1: {  	[sflag:s5] =	ssyncset.done $0x0  }
0xf2: {  	[sflag:s5] =	ssyncadd.s32 $0xFFFFFFFF  }
0xf3: {  	[spmem:s13] =	stream.linear.scatter [tilespmem:s21], [sflag:$0x1], $0x1, $0x38;
	[tilespmem:$0x3F0] =	vst v63  }
0xf4: {  	_ =	swait.ge [sflag:s5], $0x1  }
0xf5: {  	[sflag:s5] =	ssyncset.done $0x0  }
0xf6: {  	[sflag:s5] =	ssyncadd.s32 $0xFFFFFFFF;
	(ifvalue) =	ssetifvalue $0xFFFFFFFF;
	v3 =	vld [tilespmem:$0x10];
	_ =	sdelay $0x3  }
.Ltmp6:
0xf7: {  	_ = 	snop;
	(pc) =	sbr.rel .LBB2_8-.Ltmp6, $3  }
0xf8: {  	_ =	sdelay $0x1  }
0xf9: {  	(ifvalue) =	ssetifvalue $0xFFFFFFFF  }
0xfa: {  	[hbm4b:s1+s14] =	stream.indirect_vreg.scatter [tilespmem:s29], [sflag:$0x9], $0x1, v3, vm0, $0x4038;
	[tilespmem:$0x3F0] =	vst v63  }
.LBB2_6:
0xfb: {  	s0 =	simm.s32 $0x2  }
0xfc: {  	_ =	swait.ge [sflag:s0], $0x50  }
0xfd: {  	[sflag:s0] =	ssyncset.done $0x0  }
0xfe: {  	s31 =	simm.s32 $0x9;
	[sflag:s0] =	ssyncadd.s32 $0xFFFFFFB0  }
0xff: {  	_ =	swait.ge [sflag:s31], $0x10  }
0x100: {  	[sflag:s31] =	ssyncset.done $0x0  }
0x101: {  	[sflag:s31] =	ssyncadd.s32 $0xFFFFFFF0  }
.LBB2_9:
0x102: {  	_ =	sfence.sel $0x180000  }
0x103: {  	s0 =	simm.s32 $0x7;
	[bflag:$0x0] =	sbarrier.arrive $0xFFFF  }
0x104: {  	s26 =	simm.s32 $0x8;
	[sflag:s0] =	ssyncpa.u1 $0x1  }
0x105: {  	s28 =	simm.s32 $0x9;
	[sflag:s26] =	ssyncpa.u1 $0x1  }
0x106: {  	[sflag:s28] =	ssyncpa.u1 $0x1  }
0x107: {  	_ =	sfence.stream.spmem  }
0x108: {  	s29 =	simm.s32 $0x3;
	[bflag:$0x0] =	sbarrier.arrive $0xFFFF  }
0x109: {  	s30 =	simm.s32 $0x4;
	[sflag:s29] =	ssyncpa.u1 $0x1  }
0x10a: {  	s31 =	simm.s32 $0x3C;
	s2 =	stileid.u32;
	[sflag:s30] =	ssyncpa.u1 $0x1  }
0x10b: {  	p0 =	sne.s32 s2, $0x0;
	[sflag:s31] =	ssyncpa.u1 $0x1  }
0x10c: {  	s0 =	simm.s32 @p0 $0x1;
	_ =	sfence @p0  }
0x10d: {  	[sflag:s0] =	ssyncpa.u1 @p0 $0x1;
	s0 =	simm.s32 @p0 $0x2  }
0x10e: {  	[sflag:s0] =	ssyncpa.u1 @p0 $0x1  }
0x10f: {  	_ =	strace @p0 $0x90000047  }
0x110: {  	[bflag:$0x2] =	sbarrier.arrive @p0 $0xFFFF  }
0x111: {  	_ =	shalt @p0  }
.LBB2_10:
0x112: {  	_ =	sfence.stream.spmem;
	s2 =	simm.s32 $0x5  }
0x113: {  	s0 =	simm.s32 $0x80;
	s3 =	simm.s32 $0xC0;
	[sflag:s2] =	ssyncpa.u1 $0x0  }
0x114: {  	[tilespmem:s3], [sflag:$0x5] =	stream.linear.gather [spmem:s0], $0x20, $0x38;
	[tilespmem:$0x3F0] =	vst v63  }
0x115: {  	s30 =	simm.s32 $0xE0;
	s0 =	simm.s32 $0x0  }
0x116: {  	[tilespmem:s30], [sflag:$0x5] =	stream.linear.gather [spmem:s0], $0x20, $0x38;
	[tilespmem:$0x3F0] =	vst v63  }
.Ltmp7:
0x117: {  	_ = 	snop;
	(pc) =	sbr.rel .LBB2_11-.Ltmp7, $4  }
0x118: {  	_ =	swait.ge [sflag:s2], $0x40  }
0x119: {  	[sflag:s2] =	ssyncset.done $0x0  }
0x11a: {  	s31 =	simm.s32 $0x6;
	[sflag:s2] =	ssyncadd.s32 $0xFFFFFFC0  }
0x11b: {  	s2 =	simm.s32 $0x0;
	[sflag:s31] =	ssyncpa.u1 $0x0  }
.LBB2_16:
0x11c: {  	p0 =	sgt.u32 s3, $0x9FFF  }
0x11d: {  	s4 =	sshrl.u32 @!p0 s3, $0x3  }
0x11e: {  	s3 =	sand.u32 @!p0 $0x7, s3;
	s5 =	simm.s32 @!p0 $0xB0;
	s4 =	sadd.s32 @!p0 s1, s4  }
0x11f: {  	[tilespmem:s5], [sflag:$0x6] =	stream.linear.gather @!p0 [hbm4b:s4+s3], $0x1, $0x38;
	[tilespmem:$0x3F0] =	vst v63  }
0x120: {  	s3 =	simm.s32 @!p0 $0x6  }
0x121: {  	_ =	swait.ge @!p0 [sflag:s3], $0x1  }
0x122: {  	[sflag:s3] =	ssyncset.done @!p0 $0x0  }
0x123: {  	[sflag:s3] =	ssyncadd.s32 @!p0 $0xFFFFFFFF  }
0x124: {  	v1 =	vld.msk @!p0 [tilespmem:$0xB0], $0x1  }
0x125: {  	v2 =	vld.msk @!p0 [tilespmem:s2+$0xE0], $0x1;
	_ =	sdelay $0x4  }
0x126: {  	vm0 =	vgt.s32 @!p0 v2, v1  }
0x127: {  	v1 =	vsel @!p0 vm0, v2, v1  }
0x128: {  	[tilespmem:s2+$0xE0] =	vst.msk @!p0 $0x1, v1  }
0x129: {  	[tilespmem:s0+$0xC0] =	vst.msk $0x1, v0  }
0x12a: {  	v0 =	vld.msk [tilespmem:s2+$0xE0], $0x1;
	_ =	sdelay $0x4  }
0x12b: {  	[tilespmem:s0+$0xE0] =	vst.msk $0x1, v0;
	s0 =	sadd.s32 $0x1, s0  }
.LBB2_18:
0x12c: {  	s2 =	sadd.s32 $0x1, s2  }
0x12d: {  	p0 =	sne.s32 s2, $0x20  }
.Ltmp8:
0x12e: {  	_ = 	snop;
	(pc) =	sbr.rel @!p0 .LBB2_19-.Ltmp8, $1  }
0x12f: {  	_ =	sdelay $0x3  }
.LBB2_11:
0x130: {  	v0 =	vld.msk [tilespmem:s2+$0xC0], $0x1;
	_ =	sdelay $0x4  }
0x131: {  	(v2sf) =	vpush v0, $0x0;
	_ =	sdelay $0xe  }
0x132: {  	s3 =	spop (v2sf)  }
0x133: {  	p0 =	seq.s32 s3, $0xFFFFFFFF  }
.Ltmp9:
0x134: {  	_ = 	snop;
	(pc) =	sbr.rel @p0 .LBB2_18-.Ltmp9, $1  }
0x135: {  	_ =	sdelay $0x3  }
0x136: {  	p0 =	slt.s32 s0, $0x1  }
.Ltmp10:
0x137: {  	_ = 	snop;
	(pc) =	sbr.rel @p0 .LBB2_16-.Ltmp10, $1  }
0x138: {  	_ =	sdelay $0x3  }
0x139: {  	s4 =	simm.s32 $0xC0;
	p0 =	por $0x0, $0x0  }
0x13a: {  	v1 =	vld.msk @!p0 [tilespmem:s4+$0x0], $0x1;
	_ =	sdelay $0x4  }
0x13b: {  	(v2sf) =	vpush @!p0 v1, $0x0;
	_ =	sdelay $0xd  }
0x13c: {  	p2 =	sne.s32 s0, $0x1  }
.Ltmp11:
0x13d: {  	s5 =	spop @!p0 (v2sf);
	(pc) =	sbr.rel @!p2 .LBB2_15-.Ltmp11, $4  }
0x13e: {  	p1 =	seq.s32 @!p0 s3, s5  }
0x13f: {  	s5 =	simm.s32 $0x0;
	p1 =	por !p1, p0  }
0x140: {  	s7 =	simm.s32 $0xFFFFFFFF;
	s5 =	simm.s32 @p1 $0xFFFFFFFF  }
0x141: {  	s6 =	simm.s32 $0x1;
	s5 =	smov.u32 @p0 s7  }
.LBB2_14:
0x142: {  	s7 =	smov.u32 s5;
	p0 =	sne.s32 s5, $0xFFFFFFFF  }
0x143: {  	s4 =	sadd.s32 $0x1, s4;
	s5 =	smov.u32 s6;
	s6 =	sadd.s32 $0x1, s6  }
0x144: {  	p1 =	sne.s32 s0, s6;
	v1 =	vld.msk @!p0 [tilespmem:s4+$0x0], $0x1;
	_ =	sdelay $0x4  }
0x145: {  	(v2sf) =	vpush @!p0 v1, $0x0;
	_ =	sdelay $0xe  }
.Ltmp12:
0x146: {  	s8 =	spop @!p0 (v2sf);
	(pc) =	sbr.rel @p1 .LBB2_14-.Ltmp12, $4  }
0x147: {  	p2 =	seq.s32 @!p0 s3, s8  }
0x148: {  	p2 =	por !p2, p0  }
0x149: {  	s5 =	simm.s32 @p2 $0xFFFFFFFF  }
0x14a: {  	s5 =	smov.u32 @p0 s7  }
.LBB2_15:
0x14b: {  	p0 =	sne.s32 s5, $0xFFFFFFFF  }
.Ltmp13:
0x14c: {  	_ = 	snop;
	(pc) =	sbr.rel @!p0 .LBB2_16-.Ltmp13, $1  }
0x14d: {  	_ =	sdelay $0x3  }
0x14e: {  	v0 =	vld.msk [tilespmem:s2+$0xE0], $0x1  }
0x14f: {  	v1 =	vld.msk [tilespmem:s5+$0xE0], $0x1;
	_ =	sdelay $0x2  }
.Ltmp14:
0x150: {  	_ = 	snop;
	(pc) =	sbr.rel .LBB2_18-.Ltmp14, $4  }
0x151: {  	_ = 	snop  }
0x152: {  	vm0 =	vgt.s32 v1, v0  }
0x153: {  	v0 =	vsel vm0, v1, v0  }
0x154: {  	[tilespmem:s5+$0xE0] =	vst.msk $0x1, v0  }
.LBB2_19:
0x155: {  	p0 =	slt.s32 s0, $0x1  }
.Ltmp15:
0x156: {  	_ = 	snop;
	(pc) =	sbr.rel @p0 .LBB2_23-.Ltmp15, $3  }
0x157: {  	_ =	sdelay $0x1  }
0x158: {  	s2 =	simm.s32 $0x6  }
0x159: {  	[sflag:s2] =	ssyncpa.u1 $0x1;
	s2 =	simm.s32 $0x0  }
0x15a: {  	s3 =	simm.s32 $0xC0  }
0x15b: {  	v0 =	vld.msk [tilespmem:s3+$0x0], $0x1;
	_ =	sdelay $0x4  }
0x15c: {  	(v2sf) =	vpush v0, $0x0;
	_ =	sdelay $0xe  }
0x15d: {  	s0 =	sadd.s32 $0xFFFFFFFF, s0;
	s4 =	spop (v2sf)  }
0x15e: {  	p1 =	sne.s32 s0, $0x0;
	p0 =	sgt.u32 s4, $0x9FFF  }
.Ltmp16:
0x15f: {  	s5 =	sshrl.u32 @!p0 s4, $0x3;
	(pc) =	sbr.rel @!p1 .LBB2_22-.Ltmp16, $4  }
0x160: {  	s3 =	simm.s32 $0xE0;
	s4 =	sand.u32 @!p0 $0x7, s4;
	s5 =	sadd.s32 @!p0 s1, s5  }
0x161: {  	[hbm4b:s5+s4] =	stream.linear.scatter @!p0 [tilespmem:s3], [sflag:$0x5], $0x1, $0x38;
	[tilespmem:$0x3F0] =	vst v63  }
0x162: {  	s5 =	simm.s32 $0x0  }
0x163: {  	s4 =	simm.s32 $0xC1;
	s5 =	simm.s32 @!p0 $0x4  }
.LBB2_21:
0x164: {  	v0 =	vld.msk [tilespmem:s4+$0x0], $0x1;
	s0 =	sadd.s32 $0xFFFFFFFF, s0;
	s2 =	sadd.s32 s2, s5  }
0x165: {  	p0 =	sne.s32 s0, $0x0;
	_ =	sdelay $0x3  }
0x166: {  	(v2sf) =	vpush v0, $0x0;
	_ =	sdelay $0xe  }
.Ltmp17:
0x167: {  	s6 =	spop (v2sf);
	(pc) =	sbr.rel @p0 .LBB2_21-.Ltmp17, $4  }
0x168: {  	s5 =	simm.s32 $0x0;
	p1 =	sgt.u32 s6, $0x9FFF  }
0x169: {  	s3 =	sadd.s32 $0x1, s3;
	s5 =	simm.s32 @!p1 $0x4;
	s7 =	sshrl.u32 @!p1 s6, $0x3  }
0x16a: {  	s4 =	sadd.s32 $0x1, s4;
	s6 =	sand.u32 @!p1 $0x7, s6;
	s7 =	sadd.s32 @!p1 s1, s7  }
0x16b: {  	[hbm4b:s7+s6] =	stream.linear.scatter @!p1 [tilespmem:s3], [sflag:$0x5], $0x1, $0x38;
	[tilespmem:$0x3F0] =	vst v63  }
.LBB2_22:
0x16c: {  	s0 =	sadd.s32 s2, s5  }
0x16d: {  	s2 =	sshrl.u32 s0, $0x2  }
.LBB2_23:
0x16e: {  	s0 =	simm.s32 $0x5  }
0x16f: {  	_ =	swait.ge [sflag:s0], s2  }
0x170: {  	s1 =	ssub.s32 $0x0, s2;
	[sflag:s0] =	ssyncset.done $0x0  }
0x171: {  	[sflag:s0] =	ssyncadd.s32 s1  }
0x172: {  	[sflag:s0] =	ssyncpa.u1 $0x1  }
0x173: {  	s29 =	simm.s32 $0x1;
	_ =	sfence  }
0x174: {  	s30 =	simm.s32 $0x2;
	[sflag:s29] =	ssyncpa.u1 $0x1  }
0x175: {  	[sflag:s30] =	ssyncpa.u1 $0x1  }
0x176: {  	_ =	strace $0x90000047  }
0x177: {  	[bflag:$0x2] =	sbarrier.arrive $0xFFFF  }
0x178: {  	s31 =	rddreg [dreg:$0x3]  }
0x179: {  	s0 =	sadd.s32 $0x100000, s31  }
0x17a: {  	[sflag:s0] =	ssyncadd.tile.s32 $0x1;
	_ =	shalt  }
.Lfunc_end2:
_tile_overlayer_lowered:
.L_overlay_start_2:
0x17b: {  	(tag) =	ssettag $0x2  }
0x17c: {  	s0 =	rddreg [dreg:$0x0];
	s2 =	stileid.u32  }
0x17d: {  	s1 =	rddreg [dreg:$0x1];
	p0 =	sne.s32 s2, $0x0  }
0x17e: {  	s3 =	rddreg [dreg:$0x2];
	[bflag:$0x3] =	sbarrier.arrive $0xFFFF;
	s2 =	simm.s32 @!p0 $0x1C01  }
0x17f: {  	[timem:s3], [sflag:s2] =	dma.local @!p0 [hbm:s0], s1  }
0x180: {  	s0 =	simm.s32 @!p0 $0x1  }
0x181: {  	_ =	swait.ge @!p0 [sflag:s0], s1  }
0x182: {  	s1 =	ssub.s32 @!p0 $0x0, s1;
	[sflag:s0] =	ssyncset.done @!p0 $0x0  }
0x183: {  	[sflag:s0] =	ssyncadd.s32 @!p0 s1  }
0x184: {  	[bflag:$0x3] =	sbarrier.arrive $0xFFFF  }
0x185: {  	_ =	shalt  }

// kernel: scatter_offload_async_start
scs
__scs_entry_jumppad:
0x0: {  	(pc) =	sbr.rel $0x88, $3  }
0x1: {  	(tag) =	ssettag $0x0;
	lr =	simm.s32 $0x1  }
0x2: {  	[smem:$0x3F9E] =	sst lr;
	_ =	strace $0xD0000000  }
0x3: {  	_ = 	snop  }
0x4: {  	_ = 	snop  }
0x5: {  	_ = 	snop  }
0x6: {  	_ = 	snop  }
0x7: {  	_ = 	snop  }
__scs_overlays_trampoline_lowered:
0x8: {  	[smem:$0x3FAD] =	sst s0  }
0x9: {  	[smem:$0x3FAE] =	sst s1  }
0xa: {  	[smem:$0x3FAF] =	sst s2  }
0xb: {  	[smem:$0x3FB0] =	sst s3  }
0xc: {  	[smem:$0x3FB1] =	sst s4  }
0xd: {  	[smem:$0x3FB2] =	sst s5  }
0xe: {  	[smem:$0x3FB3] =	sst s6  }
0xf: {  	[smem:$0x3FB4] =	sst s7  }
0x10: {  	[smem:$0x3FB5] =	sst s8  }
0x11: {  	[smem:$0x3FB6] =	sst s9;
	s0 =	simm.s32 @!p0 $0x0  }
0x12: {  	s1 =	sld [smem:$0x3F9C];
	s0 =	simm.s32 @p0 $0x1  }
0x13: {  	[smem:$0x3FB7] =	sst s0;
	s0 =	simm.s32 @!p1 $0x0  }
0x14: {  	s2 =	sld [smem:$0x3F9B];
	s0 =	simm.s32 @p1 $0x1  }
0x15: {  	[smem:$0x3FB8] =	sst s0;
	s0 =	simm.s32 @!p2 $0x0  }
0x16: {  	s3 =	sld [smem:$0x3FDB];
	s0 =	simm.s32 @p2 $0x1  }
0x17: {  	s4 =	simm.s32 $0x1BF5;
	[smem:$0x3FBA] =	sst s0  }
0x18: {  	s0 =	sld [smem:$0x3F9D];
	_ =	swait.ge [sflag:s4], $0x0  }
0x19: {  	s7 =	sld [smem:$0x3F9E]  }
0x1a: {  	s8 =	sadd.s32 $0xFFFFE003, lr  }
0x1b: {  	s9 =	sadd.s32 $0xFFFFFEF7, lr;
	s5 =	simm.s32 $0xFFFFFFFF;
	p2 =	slt.u32 s8, $0xFFFFF086  }
0x1c: {  	p1 =	slt.u32 s9, $0xF7A;
	s5 =	simm.s32 @!p2 $0x0  }
0x1d: {  	s5 =	simm.s32 @p1 $0x1;
	p0 =	seq.s32 s7, s2  }
0x1e: {  	s7 =	smul.u32 @!p0 $0xF7A, s2;
	p2 =	seq.s32 @!p0 s5, $0x0  }
0x1f: {  	s9 =	smul.u32 $0xF7A, s1;
	s8 =	simm.s32 @!p0 $0x1BF5;
	p2 =	por !p2, p0  }
0x20: {  	[sflag:s8] =	ssyncset.s32 @!p0 $0xFFFFF086;
	s6 =	sadd.s32 @!p0 s3, s7;
	s7 =	simm.s32 @!p0 $0x108  }
0x21: {  	s3 =	sadd.s32 s3, s9;
	s6 =	sadd.s32 @!p0 $0x88, s6;
	s7 =	simm.s32 @p2 $0x1082  }
0x22: {  	[simem:s7], [sflag:s8] =	dma.local @!p0 [hbm:s6], $0xF7A  }
0x23: {  	s9 =	sor.u32 $0xD0000000, s2;
	s6 =	simm.s32 $0x108;
	_ =	swait.ge @!p0 [sflag:s8], $0x0  }
0x24: {  	s3 =	sadd.s32 $0x88, s3;
	s6 =	simm.s32 @!p1 $0x1082;
	[sflag:s4] =	ssyncset.s32 $0xFFFFF086  }
0x25: {  	[simem:s6], [sflag:s4] =	dma.local [hbm:s3], $0xF7A  }
0x26: {  	[smem:$0x3F9E] =	sst s1;
	(tag) =	ssettag s2;
	_ =	strace s9  }
0x27: {  	s1 =	sld [smem:$0x3FAE]  }
0x28: {  	s2 =	sld [smem:$0x3FAF]  }
0x29: {  	s4 =	sld [smem:$0x3FB1]  }
0x2a: {  	p0 =	seq.s32 s5, $0x0;
	s5 =	sld [smem:$0x3FB2]  }
0x2b: {  	s6 =	sld [smem:$0x3FB3]  }
0x2c: {  	s7 =	sld [smem:$0x3FB4]  }
0x2d: {  	s3 =	simm.s32 $0x108;
	s8 =	sld [smem:$0x3FB5]  }
0x2e: {  	s3 =	simm.s32 @!p0 $0x1082;
	s9 =	sld [smem:$0x3FB6]  }
0x2f: {  	lr =	sadd.s32 s0, s3;
	s0 =	sld [smem:$0x3FAD]  }
0x30: {  	s3 =	sld [smem:$0x3FB0]  }
0x31: {  	[smem:$0x3FB9] =	sst s10  }
0x32: {  	s10 =	sld [smem:$0x3FB7];
	_ =	sdelay $0x3  }
0x33: {  	p0 =	seq.s32 s10, $0x1;
	s10 =	sld [smem:$0x3FB9];
	_ =	sdelay $0x3  }
0x34: {  	[smem:$0x3FB9] =	sst s10  }
0x35: {  	s10 =	sld [smem:$0x3FB8];
	_ =	sdelay $0x3  }
0x36: {  	p1 =	seq.s32 s10, $0x1;
	s10 =	sld [smem:$0x3FB9];
	_ =	sdelay $0x3  }
0x37: {  	[smem:$0x3FB9] =	sst s10  }
0x38: {  	s10 =	sld [smem:$0x3FBA]  }
0x39: {  	_ = 	snop;
	(pc) =	sbr.ind lr, $3  }
0x3a: {  	_ = 	snop  }
0x3b: {  	_ = 	snop  }
0x3c: {  	p2 =	seq.s32 s10, $0x1;
	s10 =	sld [smem:$0x3FB9]  }
0x3d: {  	_ =	shalt  }
0x3e: {  	_ =	shalt  }
0x3f: {  	_ =	shalt  }
0x40: {  	_ =	shalt  }
0x41: {  	_ =	shalt  }
0x42: {  	_ =	shalt  }
0x43: {  	_ =	shalt  }
0x44: {  	_ =	shalt  }
0x45: {  	_ =	shalt  }
0x46: {  	_ =	shalt  }
0x47: {  	_ =	shalt  }
0x48: {  	_ =	shalt  }
0x49: {  	_ =	shalt  }
0x4a: {  	_ =	shalt  }
0x4b: {  	_ =	shalt  }
0x4c: {  	_ =	shalt  }
0x4d: {  	_ =	shalt  }
0x4e: {  	_ =	shalt  }
0x4f: {  	_ =	shalt  }
0x50: {  	_ =	shalt  }
0x51: {  	_ =	shalt  }
0x52: {  	_ =	shalt  }
0x53: {  	_ =	shalt  }
0x54: {  	_ =	shalt  }
0x55: {  	_ =	shalt  }
0x56: {  	_ =	shalt  }
0x57: {  	_ =	shalt  }
0x58: {  	_ =	shalt  }
0x59: {  	_ =	shalt  }
0x5a: {  	_ =	shalt  }
0x5b: {  	_ =	shalt  }
0x5c: {  	_ =	shalt  }
0x5d: {  	_ =	shalt  }
0x5e: {  	_ =	shalt  }
0x5f: {  	_ =	shalt  }
0x60: {  	_ =	shalt  }
0x61: {  	_ =	shalt  }
0x62: {  	_ =	shalt  }
0x63: {  	_ =	shalt  }
0x64: {  	_ =	shalt  }
0x65: {  	_ =	shalt  }
0x66: {  	_ =	shalt  }
0x67: {  	_ =	shalt  }
0x68: {  	_ =	shalt  }
0x69: {  	_ =	shalt  }
0x6a: {  	_ =	shalt  }
0x6b: {  	_ =	shalt  }
0x6c: {  	_ =	shalt  }
0x6d: {  	_ =	shalt  }
0x6e: {  	_ =	shalt  }
0x6f: {  	_ =	shalt  }
0x70: {  	_ =	shalt  }
0x71: {  	_ =	shalt  }
0x72: {  	_ =	shalt  }
0x73: {  	_ =	shalt  }
0x74: {  	_ =	shalt  }
0x75: {  	_ =	shalt  }
0x76: {  	_ =	shalt  }
0x77: {  	_ =	shalt  }
0x78: {  	_ =	shalt  }
0x79: {  	_ =	shalt  }
0x7a: {  	_ =	shalt  }
0x7b: {  	_ =	shalt  }
0x7c: {  	_ =	shalt  }
0x7d: {  	_ =	shalt  }
0x7e: {  	_ =	shalt  }
0x7f: {  	_ =	shalt  }
0x80: {  	_ =	shalt  }
0x81: {  	_ =	shalt  }
0x82: {  	_ =	shalt  }
0x83: {  	_ =	shalt  }
0x84: {  	_ =	shalt  }
0x85: {  	_ =	shalt  }
0x86: {  	_ =	shalt  }
0x87: {  	_ =	shalt  }
.Lfunc_end0:
.L_simem_size_0:
called_computation_lowered:
.L_overlay_start_0:
0x88: {  	s0 =	sld [smem:$0x3FD9]  }
0x89: {  	s1 =	sld [smem:$0x3FFE];
	_ =	sdelay $0x3  }
0x8a: {  	s0 =	sadd.s32 s1, s0  }
0x8b: {  	[smem:$0x3FC5] =	sst s0  }
0x8c: {  	_ = 	snop  }
0x8d: {  	s0 =	sld [smem:$0x3FD0];
	_ =	sdelay $0x2  }
0x8e: {  	s13 =	simm.s32 $0xA;
	s2 =	simm.s32 $0x10  }
0x8f: {  	[smem:s2], [sflag:s13] =	dma.local [hbm:s0], $0x1  }
0x90: {  	_ =	swait.eq [sflag:s13], $0x1  }
0x91: {  	[sflag:s13] =	ssyncset.done $0x0  }
0x92: {  	s14 =	sld [smem:$0x10];
	[sflag:s13] =	ssyncadd.s32 $0xFFFFFFFF  }
0x93: {  	s15 =	sld [smem:$0x11];
	(tm) =	ssettm $0x1  }
0x94: {  	s16 =	sld [smem:$0x3FFB];
	_ =	sdelay $0x3  }
0x95: {  	_ =	strace s16  }
0x96: {  	s2 =	sld [smem:$0x3FFC];
	_ =	sdelay $0x3  }
0x97: {  	_ =	strace s2  }
0x98: {  	s2 =	sld [smem:$0x3FFD];
	_ =	sdelay $0x3  }
0x99: {  	_ =	strace s2  }
0x9a: {  	_ =	strace $0x8FFFFFFF  }
0x9b: {  	s17 =	sld [smem:$0x3FDB];
	_ =	sdelay $0x1  }
0x9c: {  	s3 =	simm.s32 $_scs_section_size  }
0x9d: {  	s4 =	simm.s32 $_size__tile_overlayer_lowered;
	s5 =	simm.s32 $_tile_overlayer_lowered  }
0x9e: {  	s20 =	simm.s32 $0x1BFF;
	s19 =	sshll.u32 s5, $0x1;
	s2 =	sadd.s32 s3, s17  }
0x9f: {  	s6 =	simm.s32 $0x0;
	s18 =	sshll.u32 s4, $0x1;
	s4 =	sadd.s32 s19, s2  }
0xa0: {  	[timem:s6], [sflag:s20] =	dma.local [hbm:s4], s18  }
0xa1: {  	_ =	swait.ge [sflag:s20], s18  }
0xa2: {  	s3 =	ssub.s32 $0x0, s18;
	[sflag:s20] =	ssyncset.done $0x0  }
0xa3: {  	[sflag:s20] =	ssyncadd.s32 s3;
	_ =	sdelay $0x1  }
0xa4: {  	s21 =	simm.s32 $0x1B8B  }
0xa5: {  	_ =	swait.ge [sflag:s21], $0x1  }
0xa6: {  	[sflag:s21] =	ssyncset.done $0x0  }
0xa7: {  	s23 =	simm.s32 $0x1B8E;
	s22 =	sld [smem:$0x3FFE];
	[sflag:s21] =	ssyncadd.s32 $0xFFFFFFFF  }
0xa8: {  	s24 =	simm.s32 $execute0_lowered;
	[smem:$0x3FD2] =	sst s23  }
0xa9: {  	s4 =	sshll.u32 s24, $0x1;
	_ =	strace $0x80000049;
	[dreg:$0x1] =	wrdreg $0xFFFFFFFF  }
0xaa: {  	s25 =	simm.s32 $_size_execute0_lowered;
	s2 =	sadd.s32 s2, s4;
	[dreg:$0x0] =	wrdreg $0x0  }
0xab: {  	s4 =	sshll.u32 s25, $0x1;
	[dreg:$0x2] =	wrdreg s2  }
0xac: {  	[dreg:$0x3] =	wrdreg s4  }
0xad: {  	[dreg:$0x4] =	wrdreg $0xC0  }
0xae: {  	_ =	task [dreg:s6], $0x5FFFF  }
0xaf: {  	[dreg:$0x1] =	wrdreg $0xFFFFFFFF  }
0xb0: {  	[dreg:$0x0] =	wrdreg $0x60  }
0xb1: {  	[dreg:$0x2] =	wrdreg s15  }
0xb2: {  	[dreg:$0x3] =	wrdreg s14  }
0xb3: {  	[dreg:$0x4] =	wrdreg s22  }
0xb4: {  	[dreg:$0x5] =	wrdreg $0x9  }
0xb5: {  	_ =	task.clear_ibuf [dreg:s6], $0x6FFFF;
	_ =	strace $0x90000049  }
0xb6: {  	s26 =	simm.s32 $0x9;
	_ =	strace $0x8000004B  }
0xb7: {  	_ =	swait.ge [sflag:s26], $0x1  }
0xb8: {  	[sflag:s26] =	ssyncadd.s32 $0xFFFFFFFF  }
0xb9: {  	_ =	strace $0x9000004B  }
0xba: {  	_ =	sfence  }
0xbb: {  	s28 =	sld [smem:$0x0];
	_ =	sdelay $0x1  }
0xbc: {  	s29 =	srdreg.scid  }
0xbd: {  	s30 =	sshll.u32 s29, $0xD;
	s31 =	sshrl.u32 s29, $0x2  }
0xbe: {  	s1 =	sand.u32 $0x1, s29;
	s2 =	sand.u32 $0x4000, s30;
	s0 =	sadd.s32 s31, s28  }
0xbf: {  	s1 =	sor.u32 s2, s1;
	s0 =	sshll.u32 s0, $0x11  }
0xc0: {  	s0 =	sor.u32 s0, s1  }
0xc1: {  	s0 =	sadd.s32 $0x8F2B, s0  }
0xc2: {  	[sflag:s0] =	ssyncadd.remote.s32 $0x1  }
0xc3: {  	_ =	sfence.sel $0xFFFF  }
0xc4: {  	[dreg:$0x0] =	wrdreg $0xFFFFFFFF;
	(pc) =	sbr.abs _section_cstart, $3  }
0xc5: {  	[dreg:$0x1] =	wrdreg $0xFFFFFFFF  }
0xc6: {  	_ =	task.clear_ibuf [dreg:s6], $0x2FFFF;
	_ =	strace $0x9FFFFFFF  }
0xc7: {  	(tm) =	ssettm $0x7FFFFFFF  }
tec
execute0_lowered:
.L_overlay_start_1:
0x0: {  	(tag) =	ssettag $0x1  }
0x1: {  	s1 =	rddreg [dreg:$0x0]  }
0x2: {  	s3 =	rddreg [dreg:$0x1]  }
0x3: {  	s4 =	rddreg [dreg:$0x2]  }
0x4: {  	s0 =	rddreg [dreg:$0x3];
	_ =	strace $0x8000004A;
	s2 =	simm.s32 $0x1  }
0x5: {  	v1 =	vimm.s32 $0xFFFFFFFF;
	[sflag:s2] =	ssyncpa.u1 $0x0  }
0x6: {  	[tilespmem:$0x10] =	vst v1  }
0x7: {  	v0 =	vimm.s32 $0x80000000;
	[tilespmem:$0x20] =	vst v1  }
0x8: {  	[tilespmem:$0x30] =	vst v0  }
0x9: {  	[tilespmem:$0x40] =	vst v0  }
0xa: {  	[tilespmem:$0x50] =	vst v0  }
0xb: {  	s31 =	simm.s32 $0x2;
	s5 =	simm.s32 $0x7;
	s7 =	simm.s32 $0x8;
	[tilespmem:$0x60] =	vst v1  }
0xc: {  	s10 =	simm.s32 $0x9;
	s13 =	simm.s32 $0x0;
	s14 =	simm.s32 $0x100;
	[tilespmem:$0x70] =	vst v1  }
0xd: {  	s15 =	simm.s32 $0x130;
	s16 =	simm.s32 $0x150;
	s17 =	simm.s32 $0xF;
	[tilespmem:$0x80] =	vst v1  }
0xe: {  	s18 =	simm.s32 $0x30;
	s19 =	simm.s32 $0x0;
	s20 =	simm.s32 $0x0;
	v1 =	vimm.s32 $0x0;
	[tilespmem:$0xB0] =	vst v0  }
.Ltmp0:
0xf: {  	s23 =	simm.s32 $0x0;
	s2 =	stileid.u32;
	[tilespmem:$0x90] =	vst v1;
	(pc) =	sbr.rel .LBB2_1-.Ltmp0, $4  }
0x10: {  	s21 =	simm.s32 $0x0;
	s6 =	sshll.u32 s2, $0x4;
	[tilespmem:$0xA0] =	vst v1;
	[sflag:s31] =	ssyncpa.u1 $0x0  }
0x11: {  	s8 =	sshll.u32 s2, $0x1;
	s11 =	sshllo.u32 s2, $0x1;
	[sflag:s5] =	ssyncpa.u1 $0x0  }
0x12: {  	vm0 =	vmmov $0xffff;
	s9 =	sadd.s32 $0x10, s6;
	s12 =	sor.u32 $0x80, s8;
	[sflag:s7] =	ssyncpa.u1 $0x0  }
0x13: {  	v2 =	vlaneseq.u32;
	vm1 =	vmxor vm1, vm1;
	vm2 =	vmmov $0x1;
	s22 =	smov.u32 s6;
	[sflag:s10] =	ssyncpa.u1 $0x0;
	s10 =	sor.u32 $0x81, s8  }
.LBB2_7:
0x14: {  	_ =	swait.ge [sflag:s5], $0x10  }
0x15: {  	[sflag:s5] =	ssyncset.done $0x0  }
0x16: {  	[sflag:s5] =	ssyncadd.s32 $0xFFFFFFF0;
	(ifvalue) =	ssetifvalue $0xFFFFFFFF;
	v3 =	vld.msk [tilespmem:s14+$0x0 ss:$0x1], $0xffff;
	_ =	sdelay $0x4  }
0x17: {  	vm3 =	veq.s32 v3, $0x80000000;
	v4 =	vand.u32 $0x1, v3;
	v3 =	vshrl.u32 v3, $0x1  }
0x18: {  	v4 =	vsel vm3, $0xFFFFFFFF, v4;
	v3 =	vand.u32 $0x7FFF, v3  }
0x19: {  	v3 =	vsel vm3, $0xFFFFFFFF, v3;
	v5 =	vshrl.u32 v4, $0x1  }
0x1a: {  	v4 =	vshll.u32 v4, $0x7;
	v5 =	vmul.u32 $0x9D00, v5;
	v6 =	vshll.u32 v3, $0x1  }
0x1b: {  	v3 =	vand.u32 $0x7F, v3;
	v4 =	vand.u32 $0x80, v4;
	v6 =	vand.u32 $0xFFFFFF00, v6  }
0x1c: {  	v3 =	vor.u32 v3, v4;
	v5 =	vadd.s32 v5, v6  }
0x1d: {  	v3 =	vor.u32 v5, v3  }
0x1e: {  	v59 =	vperm.xlane v3, v1  }
0x1f: {  	vm3 =	vlt.u32 v5, $0x9D00  }
0x20: {  	v3 =	vnsel vm3, $0xFFFFFFFE, v3;
	vm3 =	vlt.u32 v59, $0x9D00  }
0x21: {  	[tilespmem:$0x70] =	vst v3;
	v3 =	vnsel vm3, $0xFFFFFFFE, v59  }
0x22: {  	[tilespmem:$0x80] =	vst v3  }
0x23: {  	v3 =	vld.msk [tilespmem:s14+$0x0 ss:$0x1], $0xffff;
	_ =	sdelay $0x4  }
0x24: {  	vm3 =	veq.s32 v3, $0x80000000;
	v60 =	vand.u32 $0x1, v3;
	v3 =	vshrl.u32 v3, $0x1  }
0x25: {  	v4 =	vsel vm3, $0xFFFFFFFF, v60;
	v3 =	vand.u32 $0x7FFF, v3  }
0x26: {  	v3 =	vsel vm3, $0xFFFFFFFF, v3;
	v61 =	vshrl.u32 v4, $0x1  }
0x27: {  	v4 =	vshll.u32 v4, $0x7;
	v5 =	vmul.u32 $0x9D00, v61;
	v62 =	vshll.u32 v3, $0x1  }
0x28: {  	v3 =	vand.u32 $0x7F, v3;
	v4 =	vand.u32 $0x80, v4;
	v6 =	vand.u32 $0xFFFFFF00, v62  }
0x29: {  	v3 =	vor.u32 v3, v4;
	v5 =	vadd.s32 v5, v6  }
0x2a: {  	v3 =	vor.u32 v5, v3  }
0x2b: {  	(xrf1) =	vunique.msk.u32 $0xffff, v3;
	_ =	sdelay $0xd  }
0x2c: {  	v63, _, _ =	vpop (xrf1)  }
0x2d: {  	vm4 =	vne.s32 v3, $0xFFFFFFFF;
	vm3 =	veq.s32 v63, v2  }
0x2e: {  	vm5 =	vlt.u32 v5, $0x9D00;
	vm3 =	vmand vm4, vm3  }
0x2f: {  	vm3 =	vmand vm5, vm3  }
0x30: {  	v3 =	vnsel vm3, $0xFFFFFFFF, v3;
	_ =	sdelay $0x3  }
0x31: {  	s23 =	sshrl.u32 s23, $0x3;
	(ifvalue) =	ssetifvalue $0xFFFFFFFF  }
0x32: {  	[tilespmem:s15], [sflag:$0x8] =	stream.indirect_vreg.gather [hbm4b:s1+s13], $0x1, v3, vm0, $0x4038;
	v3 =	vnsel vm5, $0xFFFFFFFE, v3;
	[tilespmem:$0x1B0] =	vst v63  }
0x33: {  	s23 =	sadd.s32 s4, s23;
	[tilespmem:$0x100] =	vst v3  }
0x34: {  	[tilespmem:s16], [sflag:$0x8] =	stream.linear.gather [hbm:s23], $0x10, $0x38;
	[tilespmem:$0x1B0] =	vst v63  }
.LBB2_8:
0x35: {  	s23 =	sadd.s32 $0x10, s22  }
0x36: {  	s24 =	smov.u32 s6;
	s19 =	sadd.s32 $0x40, s19;
	p0 =	slt.s32 s23, s9  }
0x37: {  	s24 =	smov.u32 @p0 s23;
	p0 =	sne.s32 s19, $0x100  }
.Ltmp1:
0x38: {  	_ = 	snop;
	(pc) =	sbr.rel @!p0 .LBB2_9-.Ltmp1, $3  }
0x39: {  	_ =	sdelay $0x1  }
0x3a: {  	s21 =	sadd.s32 $0x1, s21  }
0x3b: {  	s20 =	sadd.s32 $0x10, s20;
	s23 =	smov.u32 s22;
	s22 =	smov.u32 s24  }
.LBB2_1:
0x3c: {  	p0 =	seq.s32 s21, $0x1  }
.Ltmp2:
0x3d: {  	_ = 	snop;
	(pc) =	sbr.rel @p0 .LBB2_7-.Ltmp2, $1  }
0x3e: {  	_ =	sdelay $0x3  }
0x3f: {  	p0 =	sne.s32 s21, $0x0  }
.Ltmp3:
0x40: {  	_ = 	snop;
	(pc) =	sbr.rel @p0 .LBB2_4-.Ltmp3, $1  }
0x41: {  	_ =	sdelay $0x3  }
.Ltmp4:
0x42: {  	(pc) =	sbr.rel .LBB2_8-.Ltmp4, $4  }
0x43: {  	_ = 	snop  }
0x44: {  	s23 =	sshrl.u32 s22, $0x3  }
0x45: {  	s24 =	sand.u32 $0x7, s22;
	s23 =	sadd.s32 s3, s23  }
0x46: {  	[tilespmem:s14], [sflag:$0x7] =	stream.linear.gather [hbm4b:s23+s24], $0x10, $0x38;
	[tilespmem:$0x1B0] =	vst v63  }
.LBB2_4:
0x47: {  	p0 =	seq.s32 s19, $0xC0  }
.Ltmp5:
0x48: {  	_ = 	snop;
	(pc) =	sbr.rel @p0 .LBB2_6-.Ltmp5, $1  }
0x49: {  	_ =	sdelay $0x3  }
0x4a: {  	p0 =	sne.s32 s19, $0x80;
	_ =	swait.ge [sflag:s7], $0x20  }
0x4b: {  	[sflag:s7] =	ssyncset.done $0x0;
	s23 =	sshra.s32 @!p0 s19, $0x2  }
0x4c: {  	s24 =	simm.s32 @!p0 $0x1;
	[sflag:s7] =	ssyncadd.s32 $0xFFFFFFE0;
	s23 =	sadd.s32 @!p0 $0xEF, s23  }
0x4d: {  	[spmem:s10] =	stream.linear.scatter @!p0 [tilespmem:s23], [sflag:$0x1], $0x1, $0x38;
	[tilespmem:$0x1B0] =	vst v63  }
0x4e: {  	_ =	swait.ge @!p0 [sflag:s24], $0x1  }
0x4f: {  	[sflag:s24] =	ssyncset.done @!p0 $0x0  }
0x50: {  	s23 =	sand.u32 $0x10, s20;
	[sflag:s24] =	ssyncadd.s32 @!p0 $0xFFFFFFFF  }
0x51: {  	s26 =	sxor.u32 $0x10, s23;
	v3 =	vld [tilespmem:s23+$0x10]  }
0x52: {  	v4 =	vld [tilespmem:s26+$0x60]  }
0x53: {  	v5 =	vld [tilespmem:$0x80];
	_ =	sdelay $0x2  }
0x54: {  	(v2sf) =	vpush v3, $0x0  }
0x55: {  	(v2sf) =	vpush v4, $0x0  }
0x56: {  	(v2sf) =	vpush v5, $0x0;
	_ =	sdelay $0xc  }
0x57: {  	s28 =	spop (v2sf)  }
0x58: {  	s29 =	spop (v2sf)  }
0x59: {  	s25 =	spop (v2sf)  }
0x5a: {  	p1 =	seq.s32 s28, s29;
	p2 =	seq.s32 s25, s28  }
0x5b: {  	p2 =	por p1, p2  }
0x5c: {  	v3 =	vpsel p2, $0xFFFFFFFF, v3  }
0x5d: {  	v58 =	vld [tilespmem:s23+$0x150];
	[tilespmem:s23+$0x10] =	vst.msk $0x1, v3  }
0x5e: {  	v3 =	vld [tilespmem:$0x30]  }
0x5f: {  	v6 =	vld [tilespmem:s23+$0x40];
	_ =	sdelay $0x3  }
0x60: {  	vm3 =	vmmov vm1;
	vm5 =	vmmov vm2;
	vm4 =	vgt.s32 v3, v58  }
0x61: {  	vm3 =	vmmov @p1 vm2;
	vm11 =	vgt.s32 v3, v6;
	v4 =	vsel vm4, v3, v58  }
0x62: {  	vm5 =	vmmov @p2 vm1;
	v3 =	vsel vm11, v3, v6;
	[tilespmem:s23+$0x150] =	vst.msk vm3, v4  }
0x63: {  	[tilespmem:s23+$0x190] =	vst.msk vm5, v3  }
0x64: {  	v3 =	vld [tilespmem:s23+$0x130];
	_ =	sdelay $0x4  }
0x65: {  	v3 =	vshift.insert v3, v1, s17  }
0x66: {  	s29 =	sor.u32 $0x40, s26  }
0x67: {  	[tilespmem:s29+$0x0] =	vst.msk $0x1, v3  }
0x68: {  	s30 =	sshra.s32 s19, $0x2;
	[tilespmem:s23+$0x13F] =	vst.msk $0x1, v0  }
0x69: {  	v3 =	vld [tilespmem:s30+$0xE0];
	_ =	sdelay $0x4  }
0x6a: {  	v3 =	vshift.insert v3, v1, s17;
	_ =	sdelay $0x1  }
0x6b: {  	[tilespmem:s26+$0x10] =	vst.msk $0x1, v3  }
0x6c: {  	v4 =	vld [tilespmem:s30+$0xE0]  }
0x6d: {  	v59 =	vld [tilespmem:s23+$0x150];
	_ =	sdelay $0x4  }
0x6e: {  	vm3 =	vne.s32 v4, $0xFFFFFFFF;
	v6 =	vxor.u32 $0x80000000, v59  }
0x6f: {  	(xrf0) =	vmax.seg.scan.u32 vm3, v6;
	_ =	sdelay $0x1  }
0x70: {  	v60 =	vperm.xlane v3, v1  }
0x71: {  	v7 =	vld [tilespmem:s23+$0x130]  }
0x72: {  	vm12 =	veq.s32 v4, v60;
	vm3 =	veq.s32 v4, v5  }
0x73: {  	vm13 =	vgt.u32 v4, $0xFFFFFFFD;
	vm4 =	vmor vm12, vm3  }
0x74: {  	vm4 =	vmor vm4, vm13;
	v61, _, _ =	vpop (xrf0)  }
0x75: {  	v4 =	vsel vm4, $0xFFFFFFFF, v4;
	v5 =	vxor.u32 $0x80000000, v61  }
0x76: {  	vm14 =	vgt.s32 v5, v7  }
0x77: {  	v7 =	vsel vm14, v5, v7  }
0x78: {  	v62 =	vld [tilespmem:$0xA0];
	v7 =	vsel vm3, v5, v7  }
0x79: {  	s31 =	sadd.s32 $0x170, s23;
	v8 =	vld [tilespmem:$0x90];
	[tilespmem:s23+$0x170] =	vst v7;
	(ifvalue) =	ssetifvalue $0xFFFFFFFF  }
0x7a: {  	[hbm4b:s1+s13] =	stream.indirect_vreg.scatter [tilespmem:s31], [sflag:$0x2], $0x1, v4, vm0, $0x4038;
	[tilespmem:$0x1B0] =	vst v63  }
0x7b: {  	v4 =	vld [tilespmem:s23+$0x170];
	_ =	sdelay $0x4  }
0x7c: {  	v4 =	vshift.insert v4, v1, s17  }
0x7d: {  	vm15 =	veq.s32 v62, $0x1  }
0x7e: {  	vm4 =	vmor vm15, vm3;
	v5 =	vsel vm3, v5, v8;
	[tilespmem:s18+$0x0] =	vst.msk $0x1, v4  }
0x7f: {  	v63 =	vsel vm4, $0x1, v1;
	[tilespmem:$0x90] =	vst v5  }
0x80: {  	s26 =	sadd.s32 @!p0 $0x17F, s23;
	[tilespmem:$0xA0] =	vst v63  }
0x81: {  	[spmem:s11] =	stream.linear.scatter @!p0 [tilespmem:s26], [sflag:$0x1], $0x1, $0x38;
	[tilespmem:$0x1B0] =	vst v63  }
0x82: {  	v4 =	vmctz.xlane @!p0 vm4;
	_ =	swait.ge @!p0 [sflag:s24], $0x1  }
0x83: {  	(v2sf) =	vpush @!p0 v3, $0x0  }
0x84: {  	(v2sf) =	vpush @!p0 v4, $0x0;
	_ =	sdelay $0xd  }
0x85: {  	s26 =	spop @!p0 (v2sf)  }
0x86: {  	s28 =	spop @!p0 (v2sf)  }
0x87: {  	p1 =	sne.s32 @!p0 s25, s26;
	p2 =	slt.s32 @!p0 s28, $0xF  }
0x88: {  	[sflag:s24] =	ssyncset.done @!p0 $0x0;
	p1 =	por p1, p0;
	p2 =	por !p2, p0  }
0x89: {  	[sflag:s24] =	ssyncadd.s32 @!p0 $0xFFFFFFFF;
	v3 =	vimm.s32 @!p1 $0xFFFFFFFF;
	s28 =	simm.s32 @p2 $0xF  }
0x8a: {  	[tilespmem:$0x80] =	vst @!p1 v3;
	s25 =	sadd.s32 @!p0 $0x90, s28  }
0x8b: {  	[spmem:s8] =	stream.linear.scatter @!p0 [tilespmem:s25], [sflag:$0x1], $0x1, $0x38;
	[tilespmem:$0x1B0] =	vst v63  }
0x8c: {  	_ =	swait.ge @!p0 [sflag:s24], $0x1  }
0x8d: {  	[sflag:s24] =	ssyncset.done @!p0 $0x0  }
0x8e: {  	s25 =	simm.s32 @!p0 $0x80;
	[sflag:s24] =	ssyncadd.s32 @!p0 $0xFFFFFFFF  }
0x8f: {  	[spmem:s12] =	stream.linear.scatter @!p0 [tilespmem:s25], [sflag:$0x1], $0x1, $0x38;
	[tilespmem:$0x1B0] =	vst v63  }
0x90: {  	_ =	swait.ge @!p0 [sflag:s24], $0x1  }
0x91: {  	[sflag:s24] =	ssyncset.done @!p0 $0x0  }
0x92: {  	[sflag:s24] =	ssyncadd.s32 @!p0 $0xFFFFFFFF;
	(ifvalue) =	ssetifvalue $0xFFFFFFFF;
	v3 =	vld [tilespmem:s23+$0x10];
	_ =	sdelay $0x3  }
.Ltmp6:
0x93: {  	_ = 	snop;
	(pc) =	sbr.rel .LBB2_8-.Ltmp6, $3  }
0x94: {  	_ =	sdelay $0x1  }
0x95: {  	s23 =	sadd.s32 $0x190, s23;
	(ifvalue) =	ssetifvalue $0xFFFFFFFF  }
0x96: {  	[hbm4b:s1+s13] =	stream.indirect_vreg.scatter [tilespmem:s23], [sflag:$0x9], $0x1, v3, vm0, $0x4038;
	[tilespmem:$0x1B0] =	vst v63  }
.LBB2_6:
0x97: {  	s3 =	simm.s32 $0x2  }
0x98: {  	_ =	swait.ge [sflag:s3], $0x10  }
0x99: {  	[sflag:s3] =	ssyncset.done $0x0  }
0x9a: {  	s31 =	simm.s32 $0x9;
	[sflag:s3] =	ssyncadd.s32 $0xFFFFFFF0  }
0x9b: {  	_ =	swait.ge [sflag:s31], $0x10  }
0x9c: {  	[sflag:s31] =	ssyncset.done $0x0  }
0x9d: {  	[sflag:s31] =	ssyncadd.s32 $0xFFFFFFF0  }
.LBB2_9:
0x9e: {  	_ =	sfence.sel $0x180000  }
0x9f: {  	s3 =	simm.s32 $0x7;
	[bflag:$0x0] =	sbarrier.arrive $0xFFFF  }
0xa0: {  	s26 =	simm.s32 $0x8;
	[sflag:s3] =	ssyncpa.u1 $0x1  }
0xa1: {  	s28 =	simm.s32 $0x9;
	[sflag:s26] =	ssyncpa.u1 $0x1  }
0xa2: {  	[sflag:s28] =	ssyncpa.u1 $0x1  }
0xa3: {  	_ =	sfence.stream.spmem  }
0xa4: {  	s29 =	simm.s32 $0x3;
	[bflag:$0x0] =	sbarrier.arrive $0xFFFF  }
0xa5: {  	s30 =	simm.s32 $0x4;
	[sflag:s29] =	ssyncpa.u1 $0x1  }
0xa6: {  	s31 =	simm.s32 $0x3C;
	[sflag:s30] =	ssyncpa.u1 $0x1  }
0xa7: {  	p0 =	sne.s32 s2, $0x0;
	[sflag:s31] =	ssyncpa.u1 $0x1  }
0xa8: {  	s0 =	simm.s32 @p0 $0x1;
	_ =	sfence @p0  }
0xa9: {  	[sflag:s0] =	ssyncpa.u1 @p0 $0x1;
	s0 =	simm.s32 @p0 $0x2  }
0xaa: {  	[sflag:s0] =	ssyncpa.u1 @p0 $0x1  }
0xab: {  	_ =	strace @p0 $0x9000004A  }
0xac: {  	[bflag:$0x2] =	sbarrier.arrive @p0 $0xFFFF  }
0xad: {  	_ =	shalt @p0  }
.LBB2_10:
0xae: {  	_ =	sfence.stream.spmem;
	s3 =	simm.s32 $0x5  }
0xaf: {  	s2 =	simm.s32 $0x80;
	s4 =	simm.s32 $0xC0;
	[sflag:s3] =	ssyncpa.u1 $0x0  }
0xb0: {  	[tilespmem:s4], [sflag:$0x5] =	stream.linear.gather [spmem:s2], $0x20, $0x38;
	[tilespmem:$0x1B0] =	vst v63  }
0xb1: {  	s30 =	simm.s32 $0xE0;
	s2 =	simm.s32 $0x0  }
0xb2: {  	[tilespmem:s30], [sflag:$0x5] =	stream.linear.gather [spmem:s2], $0x20, $0x38;
	[tilespmem:$0x1B0] =	vst v63  }
.Ltmp7:
0xb3: {  	_ = 	snop;
	(pc) =	sbr.rel .LBB2_11-.Ltmp7, $4  }
0xb4: {  	_ =	swait.ge [sflag:s3], $0x40  }
0xb5: {  	[sflag:s3] =	ssyncset.done $0x0  }
0xb6: {  	s31 =	simm.s32 $0x6;
	[sflag:s3] =	ssyncadd.s32 $0xFFFFFFC0  }
0xb7: {  	s3 =	simm.s32 $0x0;
	[sflag:s31] =	ssyncpa.u1 $0x0  }
.LBB2_16:
0xb8: {  	p0 =	sgt.u32 s4, $0x9CFF  }
0xb9: {  	s5 =	sshrl.u32 @!p0 s4, $0x3  }
0xba: {  	s4 =	sand.u32 @!p0 $0x7, s4;
	s6 =	simm.s32 @!p0 $0xB0;
	s5 =	sadd.s32 @!p0 s1, s5  }
0xbb: {  	[tilespmem:s6], [sflag:$0x6] =	stream.linear.gather @!p0 [hbm4b:s5+s4], $0x1, $0x38;
	[tilespmem:$0x1B0] =	vst v63  }
0xbc: {  	s4 =	simm.s32 @!p0 $0x6  }
0xbd: {  	_ =	swait.ge @!p0 [sflag:s4], $0x1  }
0xbe: {  	[sflag:s4] =	ssyncset.done @!p0 $0x0  }
0xbf: {  	[sflag:s4] =	ssyncadd.s32 @!p0 $0xFFFFFFFF  }
0xc0: {  	v1 =	vld.msk @!p0 [tilespmem:$0xB0], $0x1  }
0xc1: {  	v2 =	vld.msk @!p0 [tilespmem:s3+$0xE0], $0x1;
	_ =	sdelay $0x4  }
0xc2: {  	vm0 =	vgt.s32 @!p0 v2, v1  }
0xc3: {  	v1 =	vsel @!p0 vm0, v2, v1  }
0xc4: {  	[tilespmem:s3+$0xE0] =	vst.msk @!p0 $0x1, v1  }
0xc5: {  	[tilespmem:s2+$0xC0] =	vst.msk $0x1, v0  }
0xc6: {  	v0 =	vld.msk [tilespmem:s3+$0xE0], $0x1;
	_ =	sdelay $0x4  }
0xc7: {  	[tilespmem:s2+$0xE0] =	vst.msk $0x1, v0;
	s2 =	sadd.s32 $0x1, s2  }
.LBB2_18:
0xc8: {  	s3 =	sadd.s32 $0x1, s3  }
0xc9: {  	p0 =	sne.s32 s3, $0x20  }
.Ltmp8:
0xca: {  	_ = 	snop;
	(pc) =	sbr.rel @!p0 .LBB2_19-.Ltmp8, $1  }
0xcb: {  	_ =	sdelay $0x3  }
.LBB2_11:
0xcc: {  	v0 =	vld.msk [tilespmem:s3+$0xC0], $0x1;
	_ =	sdelay $0x4  }
0xcd: {  	(v2sf) =	vpush v0, $0x0;
	_ =	sdelay $0xe  }
0xce: {  	s4 =	spop (v2sf)  }
0xcf: {  	p0 =	seq.s32 s4, $0xFFFFFFFF  }
.Ltmp9:
0xd0: {  	_ = 	snop;
	(pc) =	sbr.rel @p0 .LBB2_18-.Ltmp9, $1  }
0xd1: {  	_ =	sdelay $0x3  }
0xd2: {  	p0 =	slt.s32 s2, $0x1  }
.Ltmp10:
0xd3: {  	_ = 	snop;
	(pc) =	sbr.rel @p0 .LBB2_16-.Ltmp10, $1  }
0xd4: {  	_ =	sdelay $0x3  }
0xd5: {  	s5 =	simm.s32 $0xC0;
	p0 =	por $0x0, $0x0  }
0xd6: {  	v1 =	vld.msk @!p0 [tilespmem:s5+$0x0], $0x1;
	_ =	sdelay $0x4  }
0xd7: {  	(v2sf) =	vpush @!p0 v1, $0x0;
	_ =	sdelay $0xd  }
0xd8: {  	p2 =	sne.s32 s2, $0x1  }
.Ltmp11:
0xd9: {  	s6 =	spop @!p0 (v2sf);
	(pc) =	sbr.rel @!p2 .LBB2_15-.Ltmp11, $4  }
0xda: {  	p1 =	seq.s32 @!p0 s4, s6  }
0xdb: {  	s6 =	simm.s32 $0x0;
	p1 =	por !p1, p0  }
0xdc: {  	s8 =	simm.s32 $0xFFFFFFFF;
	s6 =	simm.s32 @p1 $0xFFFFFFFF  }
0xdd: {  	s7 =	simm.s32 $0x1;
	s6 =	smov.u32 @p0 s8  }
.LBB2_14:
0xde: {  	s8 =	smov.u32 s6;
	p0 =	sne.s32 s6, $0xFFFFFFFF  }
0xdf: {  	s5 =	sadd.s32 $0x1, s5;
	s6 =	smov.u32 s7;
	s7 =	sadd.s32 $0x1, s7  }
0xe0: {  	p1 =	sne.s32 s2, s7;
	v1 =	vld.msk @!p0 [tilespmem:s5+$0x0], $0x1;
	_ =	sdelay $0x4  }
0xe1: {  	(v2sf) =	vpush @!p0 v1, $0x0;
	_ =	sdelay $0xe  }
.Ltmp12:
0xe2: {  	s9 =	spop @!p0 (v2sf);
	(pc) =	sbr.rel @p1 .LBB2_14-.Ltmp12, $4  }
0xe3: {  	p2 =	seq.s32 @!p0 s4, s9  }
0xe4: {  	p2 =	por !p2, p0  }
0xe5: {  	s6 =	simm.s32 @p2 $0xFFFFFFFF  }
0xe6: {  	s6 =	smov.u32 @p0 s8  }
.LBB2_15:
0xe7: {  	p0 =	sne.s32 s6, $0xFFFFFFFF  }
.Ltmp13:
0xe8: {  	_ = 	snop;
	(pc) =	sbr.rel @!p0 .LBB2_16-.Ltmp13, $1  }
0xe9: {  	_ =	sdelay $0x3  }
0xea: {  	v0 =	vld.msk [tilespmem:s3+$0xE0], $0x1  }
0xeb: {  	v1 =	vld.msk [tilespmem:s6+$0xE0], $0x1;
	_ =	sdelay $0x2  }
.Ltmp14:
0xec: {  	_ = 	snop;
	(pc) =	sbr.rel .LBB2_18-.Ltmp14, $4  }
0xed: {  	_ = 	snop  }
0xee: {  	vm0 =	vgt.s32 v1, v0  }
0xef: {  	v0 =	vsel vm0, v1, v0  }
0xf0: {  	[tilespmem:s6+$0xE0] =	vst.msk $0x1, v0  }
.LBB2_19:
0xf1: {  	p0 =	slt.s32 s2, $0x1  }
.Ltmp15:
0xf2: {  	_ = 	snop;
	(pc) =	sbr.rel @p0 .LBB2_23-.Ltmp15, $3  }
0xf3: {  	_ =	sdelay $0x1  }
0xf4: {  	s3 =	simm.s32 $0x6  }
0xf5: {  	[sflag:s3] =	ssyncpa.u1 $0x1;
	s3 =	simm.s32 $0x0  }
0xf6: {  	s4 =	simm.s32 $0xC0  }
0xf7: {  	v0 =	vld.msk [tilespmem:s4+$0x0], $0x1;
	_ =	sdelay $0x4  }
0xf8: {  	(v2sf) =	vpush v0, $0x0;
	_ =	sdelay $0xe  }
0xf9: {  	s2 =	sadd.s32 $0xFFFFFFFF, s2;
	s5 =	spop (v2sf)  }
0xfa: {  	p1 =	sne.s32 s2, $0x0;
	p0 =	sgt.u32 s5, $0x9CFF  }
.Ltmp16:
0xfb: {  	s6 =	sshrl.u32 @!p0 s5, $0x3;
	(pc) =	sbr.rel @!p1 .LBB2_22-.Ltmp16, $4  }
0xfc: {  	s4 =	simm.s32 $0xE0;
	s5 =	sand.u32 @!p0 $0x7, s5;
	s6 =	sadd.s32 @!p0 s1, s6  }
0xfd: {  	[hbm4b:s6+s5] =	stream.linear.scatter @!p0 [tilespmem:s4], [sflag:$0x5], $0x1, $0x38;
	[tilespmem:$0x1B0] =	vst v63  }
0xfe: {  	s6 =	simm.s32 $0x0  }
0xff: {  	s5 =	simm.s32 $0xC1;
	s6 =	simm.s32 @!p0 $0x4  }
.LBB2_21:
0x100: {  	v0 =	vld.msk [tilespmem:s5+$0x0], $0x1;
	s2 =	sadd.s32 $0xFFFFFFFF, s2;
	s3 =	sadd.s32 s3, s6  }
0x101: {  	p0 =	sne.s32 s2, $0x0;
	_ =	sdelay $0x3  }
0x102: {  	(v2sf) =	vpush v0, $0x0;
	_ =	sdelay $0xe  }
.Ltmp17:
0x103: {  	s7 =	spop (v2sf);
	(pc) =	sbr.rel @p0 .LBB2_21-.Ltmp17, $4  }
0x104: {  	s6 =	simm.s32 $0x0;
	p1 =	sgt.u32 s7, $0x9CFF  }
0x105: {  	s4 =	sadd.s32 $0x1, s4;
	s6 =	simm.s32 @!p1 $0x4;
	s8 =	sshrl.u32 @!p1 s7, $0x3  }
0x106: {  	s5 =	sadd.s32 $0x1, s5;
	s7 =	sand.u32 @!p1 $0x7, s7;
	s8 =	sadd.s32 @!p1 s1, s8  }
0x107: {  	[hbm4b:s8+s7] =	stream.linear.scatter @!p1 [tilespmem:s4], [sflag:$0x5], $0x1, $0x38;
	[tilespmem:$0x1B0] =	vst v63  }
.LBB2_22:
0x108: {  	s1 =	sadd.s32 s3, s6  }
0x109: {  	s3 =	sshrl.u32 s1, $0x2  }
.LBB2_23:
0x10a: {  	s1 =	simm.s32 $0x5  }
0x10b: {  	_ =	swait.ge [sflag:s1], s3  }
0x10c: {  	s2 =	ssub.s32 $0x0, s3;
	[sflag:s1] =	ssyncset.done $0x0  }
0x10d: {  	[sflag:s1] =	ssyncadd.s32 s2  }
0x10e: {  	[sflag:s1] =	ssyncpa.u1 $0x1  }
0x10f: {  	s30 =	simm.s32 $0x1;
	_ =	sfence  }
0x110: {  	s31 =	simm.s32 $0x2;
	[sflag:s30] =	ssyncpa.u1 $0x1  }
0x111: {  	[sflag:s31] =	ssyncpa.u1 $0x1  }
0x112: {  	_ =	strace $0x9000004A  }
0x113: {  	s0 =	sadd.s32 $0x100000, s0;
	[bflag:$0x2] =	sbarrier.arrive $0xFFFF  }
0x114: {  	[sflag:s0] =	ssyncadd.tile.s32 $0x1;
	_ =	shalt  }
.Lfunc_end2:
_tile_overlayer_lowered:
.L_overlay_start_2:
0x115: {  	(tag) =	ssettag $0x2  }
0x116: {  	s0 =	rddreg [dreg:$0x0];
	s2 =	stileid.u32  }
0x117: {  	s1 =	rddreg [dreg:$0x1];
	p0 =	sne.s32 s2, $0x0  }
0x118: {  	s3 =	rddreg [dreg:$0x2];
	[bflag:$0x3] =	sbarrier.arrive $0xFFFF;
	s2 =	simm.s32 @!p0 $0x1C01  }
0x119: {  	[timem:s3], [sflag:s2] =	dma.local @!p0 [hbm:s0], s1  }
0x11a: {  	s0 =	simm.s32 @!p0 $0x1  }
0x11b: {  	_ =	swait.ge @!p0 [sflag:s0], s1  }
0x11c: {  	s1 =	ssub.s32 @!p0 $0x0, s1;
	[sflag:s0] =	ssyncset.done @!p0 $0x0  }
0x11d: {  	[sflag:s0] =	ssyncadd.s32 @!p0 s1  }
0x11e: {  	[bflag:$0x3] =	sbarrier.arrive $0xFFFF  }
0x11f: {  	_ =	shalt  }

</sc_bundles>
